<compile_context>
chip_gen: v7x
topology: tpu7x:2x2x1
jax: 0.10.2.dev20260603
libtpu: 0.0.44.dev20260713+nightly
codegen_flags: <defaults>
</compile_context>

<pallas_src>
import jax
import jax.numpy as jnp
import numpy as np
from jax.experimental import pallas as pl

_N_IN = 12000
_N_OUT = 2000
_ROWS = 8
_COLS = _N_IN // _ROWS
_THRESH = 0.7


def _anchor_base(base_size=16, ratios=(0.5, 1, 2), scales=(8, 16, 32)):
    py = base_size / 2.0
    px = base_size / 2.0
    anchors = []
    for r in ratios:
        for s in scales:
            h = base_size * s * np.sqrt(r)
            w = base_size * s * np.sqrt(1.0 / r)
            anchors.append([py - h / 2.0, px - w / 2.0, py + h / 2.0, px + w / 2.0])
    return jnp.asarray(np.array(anchors, dtype=np.float32))


def _shifted_anchors(anchors, feat_stride, hh, ww):
    shift_y = jnp.arange(0, hh * feat_stride, feat_stride, dtype=jnp.float32)
    shift_x = jnp.arange(0, ww * feat_stride, feat_stride, dtype=jnp.float32)
    sy, sx = jnp.meshgrid(shift_y, shift_x, indexing='ij')
    shift = jnp.stack([sy.ravel(), sx.ravel(), sy.ravel(), sx.ravel()], axis=1)
    A = anchors.shape[0]
    K = shift.shape[0]
    all_anchors = anchors.reshape(1, A, 4) + shift.reshape(K, 1, 4)
    return all_anchors.reshape(K * A, 4)


def _loc2bbox(src, loc):
    sh = src[:, 2] - src[:, 0]
    sw = src[:, 3] - src[:, 1]
    cy = src[:, 0] + 0.5 * sh
    cx = src[:, 1] + 0.5 * sw
    dy, dx, dh, dw = loc[:, 0], loc[:, 1], loc[:, 2], loc[:, 3]
    ncy = dy * sh + cy
    ncx = dx * sw + cx
    nh = jnp.exp(dh) * sh
    nw = jnp.exp(dw) * sw
    return jnp.stack([ncy - 0.5 * nh, ncx - 0.5 * nw, ncy + 0.5 * nh, ncx + 0.5 * nw], axis=1)


def _conv2d(x, w, b, pad):
    out = jax.lax.conv_general_dilated(x, w, window_strides=(1, 1), padding=pad,
                                       dimension_numbers=('NCHW', 'OIHW', 'NCHW'))
    return out + b[None, :, None, None]


def _fold(v):
    rows = [v[i * _COLS:(i + 1) * _COLS].reshape(1, _COLS) for i in range(_ROWS)]
    return jnp.concatenate(rows, axis=0)


def _nms_body(y1_ref, x1_ref, y2_ref, x2_ref, boxes_ref, keep_ref):
    y1 = _fold(y1_ref[...])
    x1 = _fold(x1_ref[...])
    y2 = _fold(y2_ref[...])
    x2 = _fold(x2_ref[...])
    area = (y2 - y1) * (x2 - x1)
    r = jax.lax.broadcasted_iota(jnp.int32, (_ROWS, _COLS), 0)
    c = jax.lax.broadcasted_iota(jnp.int32, (_ROWS, _COLS), 1)
    idx = r * _COLS + c
    big = jnp.int32(_N_IN)

    def cond(carry):
        count, m, _, _ = carry
        return (count < _N_OUT) & (m < big)

    def body(carry):
        count, m, midx, keep = carry
        eq = idx == m
        bx = boxes_ref[pl.ds(m, 1), :]
        y1k = bx[0, 0]
        x1k = bx[0, 1]
        y2k = bx[0, 2]
        x2k = bx[0, 3]
        areak = (y2k - y1k) * (x2k - x1k)
        iy1 = jnp.maximum(y1k, y1)
        ix1 = jnp.maximum(x1k, x1)
        iy2 = jnp.minimum(y2k, y2)
        ix2 = jnp.minimum(x2k, x2)
        inter = jnp.maximum(iy2 - iy1, jnp.float32(0.0)) * jnp.maximum(ix2 - ix1, jnp.float32(0.0))
        iou = inter / (areak + area - inter + jnp.float32(1e-9))
        supp = iou > jnp.float32(_THRESH)
        midx = jnp.where(supp | eq, big, midx)
        keep = jnp.where(eq, jnp.float32(1.0), keep)
        m2 = jnp.min(midx)
        return count + 1, m2, midx, keep

    keep0 = jnp.zeros((_ROWS, _COLS), dtype=jnp.float32)
    _, _, _, keep = jax.lax.while_loop(cond, body, (jnp.int32(0), jnp.int32(0), idx, keep0))
    keep_ref[...] = keep


def _nms_call(boxes):
    y1, x1, y2, x2 = boxes[:, 0], boxes[:, 1], boxes[:, 2], boxes[:, 3]
    keep = pl.pallas_call(
        _nms_body,
        out_shape=jax.ShapeDtypeStruct((_ROWS, _COLS), jnp.float32),
    )(y1, x1, y2, x2, boxes)
    return keep.reshape(-1) > jnp.float32(0.5)


def _nms_keep_mask(boxes):
    return jax.lax.cond(jnp.sum(boxes) > 0, _nms_call, _nms_call, boxes)


def kernel(x, conv_w, conv_b, score_w, score_b, loc_w, loc_b, img_size):
    feat_stride = 16
    anchors = _anchor_base(16, (0.5, 1, 2), (8, 16, 32))
    batch_size = x.shape[0]
    shifted = _shifted_anchors(anchors, feat_stride, x.shape[2], x.shape[3])
    h = jax.nn.relu(_conv2d(x, conv_w, conv_b, [(1, 1), (1, 1)]))
    rpn_locs = _conv2d(h, loc_w, loc_b, [(0, 0), (0, 0)])
    rpn_locs = jnp.transpose(rpn_locs, (0, 2, 3, 1)).reshape(batch_size, -1, 4)
    rpn_scores = _conv2d(h, score_w, score_b, [(0, 0), (0, 0)])
    rpn_scores = jnp.transpose(rpn_scores, (0, 2, 3, 1)).reshape(batch_size, -1, 2)
    rpn_fg_scores = jax.nn.softmax(rpn_scores, axis=2)[:, :, 1]

    locs = rpn_locs[0]
    scores = rpn_fg_scores[0]
    rois = _loc2bbox(shifted, locs)
    max_y = jnp.asarray(img_size[0], dtype=jnp.float32)
    max_x = jnp.asarray(img_size[1], dtype=jnp.float32)
    rois = rois.at[:, 0::2].set(jnp.clip(rois[:, 0::2], 0.0, max_y))
    rois = rois.at[:, 1::2].set(jnp.clip(rois[:, 1::2], 0.0, max_x))
    roi_h = rois[:, 2] - rois[:, 0]
    roi_w = rois[:, 3] - rois[:, 1]
    valid = (roi_h >= 16) & (roi_w >= 16)
    scores = jnp.where(valid, scores, -jnp.inf)
    order = jax.lax.top_k(scores, _N_IN)[1]
    rois_s = rois[order]

    keep_mask = _nms_keep_mask(rois_s)
    kept = jnp.nonzero(keep_mask, size=_N_OUT, fill_value=0)[0]
    rois_out = rois_s[kept]
    roi_indices = jnp.zeros((_N_OUT,), dtype=jnp.int32)
    return (rpn_scores, rpn_locs, rois_out, roi_indices, shifted)

# --- scband reference (transcript-rebuilt; emitter-appended) ---
"""Pipeline reference for scband-rpn-63110249447707 (READ-ONLY COPY).

The authoritative reference and input builder live on the scoring server;
editing this copy changes nothing except your own understanding.
"""

import jax, jax.numpy as jnp
import numpy as np


def generator_anchor(base_size=16, ratios=(0.5, 1, 2), scales=(8, 16, 32)):
    py = base_size / 2.0
    px = base_size / 2.0
    anchors = []
    for r in ratios:
        for s in scales:
            h = base_size * s * np.sqrt(r)
            w = base_size * s * np.sqrt(1.0 / r)
            anchors.append([py - h / 2.0, px - w / 2.0, py + h / 2.0, px + w / 2.0])
    return jnp.asarray(np.array(anchors, dtype=np.float32))


def enumerate_shifted_anchors(anchors, feat_stride, hh, ww):
    shift_y = jnp.arange(0, hh * feat_stride, feat_stride, dtype=jnp.float32)
    shift_x = jnp.arange(0, ww * feat_stride, feat_stride, dtype=jnp.float32)
    sy, sx = jnp.meshgrid(shift_y, shift_x, indexing='ij')
    shift = jnp.stack([sy.ravel(), sx.ravel(), sy.ravel(), sx.ravel()], axis=1)
    A = anchors.shape[0]
    K = shift.shape[0]
    all_anchors = anchors.reshape(1, A, 4) + shift.reshape(K, 1, 4)
    return all_anchors.reshape(K * A, 4)


def loc2bbox(src, loc):
    sh = src[:, 2] - src[:, 0]
    sw = src[:, 3] - src[:, 1]
    cy = src[:, 0] + 0.5 * sh
    cx = src[:, 1] + 0.5 * sw
    dy, dx, dh, dw = loc[:, 0], loc[:, 1], loc[:, 2], loc[:, 3]
    ncy = dy * sh + cy
    ncx = dx * sw + cx
    nh = jnp.exp(dh) * sh
    nw = jnp.exp(dw) * sw
    return jnp.stack([ncy - 0.5 * nh, ncx - 0.5 * nw, ncy + 0.5 * nh, ncx + 0.5 * nw], axis=1)


def conv2d(x, w, b, pad):
    out = jax.lax.conv_general_dilated(x, w, window_strides=(1, 1), padding=pad,
                                       dimension_numbers=('NCHW', 'OIHW', 'NCHW'))
    return out + b[None, :, None, None]


@jax.jit
def nms_keep(boxes, thresh):
    # boxes are pre-sorted by descending score; greedy suppression
    n = boxes.shape[0]
    y1, x1, y2, x2 = boxes[:, 0], boxes[:, 1], boxes[:, 2], boxes[:, 3]
    areas = (y2 - y1) * (x2 - x1)
    idxs = jnp.arange(n)

    def body(i, keep):
        iy1 = jnp.maximum(y1[i], y1)
        ix1 = jnp.maximum(x1[i], x1)
        iy2 = jnp.minimum(y2[i], y2)
        ix2 = jnp.minimum(x2[i], x2)
        inter = jnp.maximum(iy2 - iy1, 0.0) * jnp.maximum(ix2 - ix1, 0.0)
        iou = inter / (areas[i] + areas - inter + 1e-9)
        suppress = (iou > thresh) & (idxs > i) & keep[i]
        return keep & (~suppress)

    return jax.lax.fori_loop(0, n, body, jnp.ones((n,), dtype=bool))


def proposal_layer(locs, scores, anchors, img_size, training=True, nms_threshold=0.7,
                   n_in_train=12000, n_out_train=2000, n_in_test=6000, n_out_test=300, min_size=16):
    n_in, n_out = (n_in_train, n_out_train) if training else (n_in_test, n_out_test)
    rois = loc2bbox(anchors, locs)
    max_y = jnp.asarray(img_size[0], dtype=jnp.float32)
    max_x = jnp.asarray(img_size[1], dtype=jnp.float32)
    rois = rois.at[:, 0::2].set(jnp.clip(rois[:, 0::2], 0.0, max_y))
    rois = rois.at[:, 1::2].set(jnp.clip(rois[:, 1::2], 0.0, max_x))
    roi_h = rois[:, 2] - rois[:, 0]
    roi_w = rois[:, 3] - rois[:, 1]
    valid = (roi_h >= min_size) & (roi_w >= min_size)
    scores = jnp.where(valid, scores, -jnp.inf)
    order = jnp.argsort(-scores)[:n_in]
    rois = rois[order]
    scores = scores[order]
    keep_mask = nms_keep(rois, jnp.float32(nms_threshold))
    kept = jnp.nonzero(keep_mask, size=n_out, fill_value=0)[0]
    rois = rois[kept]
    return rois


def setup_inputs(seed: int = 0) -> dict:
    key = jax.random.key(seed)
    ks = jax.random.split(key, 4)
    x = jax.random.normal(ks[0], (1, 256, 64, 64), dtype=jnp.float32)
    conv_w = jax.random.normal(ks[1], (256, 256, 3, 3), dtype=jnp.float32) * 0.01
    conv_b = jnp.zeros((256,), dtype=jnp.float32)
    score_w = jax.random.normal(ks[2], (18, 256, 1, 1), dtype=jnp.float32) * 0.01
    score_b = jnp.zeros((18,), dtype=jnp.float32)
    loc_w = jax.random.normal(ks[3], (36, 256, 1, 1), dtype=jnp.float32) * 0.01
    loc_b = jnp.zeros((36,), dtype=jnp.float32)
    return {"x": x, "conv_w": conv_w, "conv_b": conv_b, "score_w": score_w,
            "score_b": score_b, "loc_w": loc_w, "loc_b": loc_b, "img_size": (1024, 1024)}


def reference(x, conv_w, conv_b, score_w, score_b, loc_w, loc_b, img_size):
    feat_stride = 16
    anchors = generator_anchor(16, (0.5, 1, 2), (8, 16, 32))
    batch_size = x.shape[0]
    shifted_anchors = enumerate_shifted_anchors(anchors, feat_stride, x.shape[2], x.shape[3])
    h = jax.nn.relu(conv2d(x, conv_w, conv_b, [(1, 1), (1, 1)]))
    rpn_locs = conv2d(h, loc_w, loc_b, [(0, 0), (0, 0)])
    rpn_locs = jnp.transpose(rpn_locs, (0, 2, 3, 1)).reshape(batch_size, -1, 4)
    rpn_scores = conv2d(h, score_w, score_b, [(0, 0), (0, 0)])
    rpn_scores = jnp.transpose(rpn_scores, (0, 2, 3, 1)).reshape(batch_size, -1, 2)
    rpn_fg_scores = jax.nn.softmax(rpn_scores, axis=2)[:, :, 1]
    rois_list = []
    roi_idx_list = []
    for i in range(batch_size):
        roi = proposal_layer(rpn_locs[i], rpn_fg_scores[i], shifted_anchors, img_size, training=True)
        rois_list.append(roi)
        roi_idx_list.append(jnp.full((roi.shape[0],), i, dtype=jnp.int32))
    rois = jnp.concatenate(rois_list, axis=0)
    roi_indices = jnp.concatenate(roi_idx_list, axis=0)
    return (rpn_scores, rpn_locs, rois, roi_indices, shifted_anchors)

if __name__ == "__main__":
    import jax
    _d = setup_inputs()
    print(jax.jit(kernel)(*tuple(_d.values())))

</pallas_src>

<mosaic_0001>
module attributes {stable_mosaic.version = 14 : i64} {
  func.func @_nms_body(%arg0: memref<12000xf32, #tpu.memory_space<vmem>>, %arg1: memref<12000xf32, #tpu.memory_space<vmem>>, %arg2: memref<12000xf32, #tpu.memory_space<vmem>>, %arg3: memref<12000xf32, #tpu.memory_space<vmem>>, %arg4: memref<12000x4xf32, #tpu.memory_space<vmem>>, %arg5: memref<8x1500xf32, #tpu.memory_space<vmem>>) attributes {dimension_semantics = [], scalar_prefetch = 0 : i64, scratch_operands = 0 : i64, tpu.core_type = #tpu.core_type<tc>} {
    %get3A = arith.constant 0 : index
    %get3A_0 = vector.load %arg0[%get3A] : memref<12000xf32, #tpu.memory_space<vmem>>, vector<12000xf32>
    %slice3A = vector.extract_strided_slice %get3A_0 {offsets = [0], sizes = [1500], strides = [1]} : vector<12000xf32> to vector<1500xf32>
    %reshape3A = vector.shape_cast %slice3A : vector<1500xf32> to vector<1x1500xf32>
    %slice3A_1 = vector.extract_strided_slice %get3A_0 {offsets = [1500], sizes = [1500], strides = [1]} : vector<12000xf32> to vector<1500xf32>
    %reshape3A_2 = vector.shape_cast %slice3A_1 : vector<1500xf32> to vector<1x1500xf32>
    %slice3A_3 = vector.extract_strided_slice %get3A_0 {offsets = [3000], sizes = [1500], strides = [1]} : vector<12000xf32> to vector<1500xf32>
    %reshape3A_4 = vector.shape_cast %slice3A_3 : vector<1500xf32> to vector<1x1500xf32>
    %slice3A_5 = vector.extract_strided_slice %get3A_0 {offsets = [4500], sizes = [1500], strides = [1]} : vector<12000xf32> to vector<1500xf32>
    %reshape3A_6 = vector.shape_cast %slice3A_5 : vector<1500xf32> to vector<1x1500xf32>
    %slice3A_7 = vector.extract_strided_slice %get3A_0 {offsets = [6000], sizes = [1500], strides = [1]} : vector<12000xf32> to vector<1500xf32>
    %reshape3A_8 = vector.shape_cast %slice3A_7 : vector<1500xf32> to vector<1x1500xf32>
    %slice3A_9 = vector.extract_strided_slice %get3A_0 {offsets = [7500], sizes = [1500], strides = [1]} : vector<12000xf32> to vector<1500xf32>
    %reshape3A_10 = vector.shape_cast %slice3A_9 : vector<1500xf32> to vector<1x1500xf32>
    %slice3A_11 = vector.extract_strided_slice %get3A_0 {offsets = [9000], sizes = [1500], strides = [1]} : vector<12000xf32> to vector<1500xf32>
    %reshape3A_12 = vector.shape_cast %slice3A_11 : vector<1500xf32> to vector<1x1500xf32>
    %slice3A_13 = vector.extract_strided_slice %get3A_0 {offsets = [10500], sizes = [1500], strides = [1]} : vector<12000xf32> to vector<1500xf32>
    %reshape3A_14 = vector.shape_cast %slice3A_13 : vector<1500xf32> to vector<1x1500xf32>
    %concatenate3A = tpu.concatenate %reshape3A, %reshape3A_2, %reshape3A_4, %reshape3A_6, %reshape3A_8, %reshape3A_10, %reshape3A_12, %reshape3A_14 in 0 : vector<1x1500xf32>, vector<1x1500xf32>, vector<1x1500xf32>, vector<1x1500xf32>, vector<1x1500xf32>, vector<1x1500xf32>, vector<1x1500xf32>, vector<1x1500xf32> -> vector<8x1500xf32>
    %get3A_15 = arith.constant 0 : index
    %get3A_16 = vector.load %arg1[%get3A_15] : memref<12000xf32, #tpu.memory_space<vmem>>, vector<12000xf32>
    %slice3A_17 = vector.extract_strided_slice %get3A_16 {offsets = [0], sizes = [1500], strides = [1]} : vector<12000xf32> to vector<1500xf32>
    %reshape3A_18 = vector.shape_cast %slice3A_17 : vector<1500xf32> to vector<1x1500xf32>
    %slice3A_19 = vector.extract_strided_slice %get3A_16 {offsets = [1500], sizes = [1500], strides = [1]} : vector<12000xf32> to vector<1500xf32>
    %reshape3A_20 = vector.shape_cast %slice3A_19 : vector<1500xf32> to vector<1x1500xf32>
    %slice3A_21 = vector.extract_strided_slice %get3A_16 {offsets = [3000], sizes = [1500], strides = [1]} : vector<12000xf32> to vector<1500xf32>
    %reshape3A_22 = vector.shape_cast %slice3A_21 : vector<1500xf32> to vector<1x1500xf32>
    %slice3A_23 = vector.extract_strided_slice %get3A_16 {offsets = [4500], sizes = [1500], strides = [1]} : vector<12000xf32> to vector<1500xf32>
    %reshape3A_24 = vector.shape_cast %slice3A_23 : vector<1500xf32> to vector<1x1500xf32>
    %slice3A_25 = vector.extract_strided_slice %get3A_16 {offsets = [6000], sizes = [1500], strides = [1]} : vector<12000xf32> to vector<1500xf32>
    %reshape3A_26 = vector.shape_cast %slice3A_25 : vector<1500xf32> to vector<1x1500xf32>
    %slice3A_27 = vector.extract_strided_slice %get3A_16 {offsets = [7500], sizes = [1500], strides = [1]} : vector<12000xf32> to vector<1500xf32>
    %reshape3A_28 = vector.shape_cast %slice3A_27 : vector<1500xf32> to vector<1x1500xf32>
    %slice3A_29 = vector.extract_strided_slice %get3A_16 {offsets = [9000], sizes = [1500], strides = [1]} : vector<12000xf32> to vector<1500xf32>
    %reshape3A_30 = vector.shape_cast %slice3A_29 : vector<1500xf32> to vector<1x1500xf32>
    %slice3A_31 = vector.extract_strided_slice %get3A_16 {offsets = [10500], sizes = [1500], strides = [1]} : vector<12000xf32> to vector<1500xf32>
    %reshape3A_32 = vector.shape_cast %slice3A_31 : vector<1500xf32> to vector<1x1500xf32>
    %concatenate3A_33 = tpu.concatenate %reshape3A_18, %reshape3A_20, %reshape3A_22, %reshape3A_24, %reshape3A_26, %reshape3A_28, %reshape3A_30, %reshape3A_32 in 0 : vector<1x1500xf32>, vector<1x1500xf32>, vector<1x1500xf32>, vector<1x1500xf32>, vector<1x1500xf32>, vector<1x1500xf32>, vector<1x1500xf32>, vector<1x1500xf32> -> vector<8x1500xf32>
    %get3A_34 = arith.constant 0 : index
    %get3A_35 = vector.load %arg2[%get3A_34] : memref<12000xf32, #tpu.memory_space<vmem>>, vector<12000xf32>
    %slice3A_36 = vector.extract_strided_slice %get3A_35 {offsets = [0], sizes = [1500], strides = [1]} : vector<12000xf32> to vector<1500xf32>
    %reshape3A_37 = vector.shape_cast %slice3A_36 : vector<1500xf32> to vector<1x1500xf32>
    %slice3A_38 = vector.extract_strided_slice %get3A_35 {offsets = [1500], sizes = [1500], strides = [1]} : vector<12000xf32> to vector<1500xf32>
    %reshape3A_39 = vector.shape_cast %slice3A_38 : vector<1500xf32> to vector<1x1500xf32>
    %slice3A_40 = vector.extract_strided_slice %get3A_35 {offsets = [3000], sizes = [1500], strides = [1]} : vector<12000xf32> to vector<1500xf32>
    %reshape3A_41 = vector.shape_cast %slice3A_40 : vector<1500xf32> to vector<1x1500xf32>
    %slice3A_42 = vector.extract_strided_slice %get3A_35 {offsets = [4500], sizes = [1500], strides = [1]} : vector<12000xf32> to vector<1500xf32>
    %reshape3A_43 = vector.shape_cast %slice3A_42 : vector<1500xf32> to vector<1x1500xf32>
    %slice3A_44 = vector.extract_strided_slice %get3A_35 {offsets = [6000], sizes = [1500], strides = [1]} : vector<12000xf32> to vector<1500xf32>
    %reshape3A_45 = vector.shape_cast %slice3A_44 : vector<1500xf32> to vector<1x1500xf32>
    %slice3A_46 = vector.extract_strided_slice %get3A_35 {offsets = [7500], sizes = [1500], strides = [1]} : vector<12000xf32> to vector<1500xf32>
    %reshape3A_47 = vector.shape_cast %slice3A_46 : vector<1500xf32> to vector<1x1500xf32>
    %slice3A_48 = vector.extract_strided_slice %get3A_35 {offsets = [9000], sizes = [1500], strides = [1]} : vector<12000xf32> to vector<1500xf32>
    %reshape3A_49 = vector.shape_cast %slice3A_48 : vector<1500xf32> to vector<1x1500xf32>
    %slice3A_50 = vector.extract_strided_slice %get3A_35 {offsets = [10500], sizes = [1500], strides = [1]} : vector<12000xf32> to vector<1500xf32>
    %reshape3A_51 = vector.shape_cast %slice3A_50 : vector<1500xf32> to vector<1x1500xf32>
    %concatenate3A_52 = tpu.concatenate %reshape3A_37, %reshape3A_39, %reshape3A_41, %reshape3A_43, %reshape3A_45, %reshape3A_47, %reshape3A_49, %reshape3A_51 in 0 : vector<1x1500xf32>, vector<1x1500xf32>, vector<1x1500xf32>, vector<1x1500xf32>, vector<1x1500xf32>, vector<1x1500xf32>, vector<1x1500xf32>, vector<1x1500xf32> -> vector<8x1500xf32>
    %get3A_53 = arith.constant 0 : index
    %get3A_54 = vector.load %arg3[%get3A_53] : memref<12000xf32, #tpu.memory_space<vmem>>, vector<12000xf32>
    %slice3A_55 = vector.extract_strided_slice %get3A_54 {offsets = [0], sizes = [1500], strides = [1]} : vector<12000xf32> to vector<1500xf32>
    %reshape3A_56 = vector.shape_cast %slice3A_55 : vector<1500xf32> to vector<1x1500xf32>
    %slice3A_57 = vector.extract_strided_slice %get3A_54 {offsets = [1500], sizes = [1500], strides = [1]} : vector<12000xf32> to vector<1500xf32>
    %reshape3A_58 = vector.shape_cast %slice3A_57 : vector<1500xf32> to vector<1x1500xf32>
    %slice3A_59 = vector.extract_strided_slice %get3A_54 {offsets = [3000], sizes = [1500], strides = [1]} : vector<12000xf32> to vector<1500xf32>
    %reshape3A_60 = vector.shape_cast %slice3A_59 : vector<1500xf32> to vector<1x1500xf32>
    %slice3A_61 = vector.extract_strided_slice %get3A_54 {offsets = [4500], sizes = [1500], strides = [1]} : vector<12000xf32> to vector<1500xf32>
    %reshape3A_62 = vector.shape_cast %slice3A_61 : vector<1500xf32> to vector<1x1500xf32>
    %slice3A_63 = vector.extract_strided_slice %get3A_54 {offsets = [6000], sizes = [1500], strides = [1]} : vector<12000xf32> to vector<1500xf32>
    %reshape3A_64 = vector.shape_cast %slice3A_63 : vector<1500xf32> to vector<1x1500xf32>
    %slice3A_65 = vector.extract_strided_slice %get3A_54 {offsets = [7500], sizes = [1500], strides = [1]} : vector<12000xf32> to vector<1500xf32>
    %reshape3A_66 = vector.shape_cast %slice3A_65 : vector<1500xf32> to vector<1x1500xf32>
    %slice3A_67 = vector.extract_strided_slice %get3A_54 {offsets = [9000], sizes = [1500], strides = [1]} : vector<12000xf32> to vector<1500xf32>
    %reshape3A_68 = vector.shape_cast %slice3A_67 : vector<1500xf32> to vector<1x1500xf32>
    %slice3A_69 = vector.extract_strided_slice %get3A_54 {offsets = [10500], sizes = [1500], strides = [1]} : vector<12000xf32> to vector<1500xf32>
    %reshape3A_70 = vector.shape_cast %slice3A_69 : vector<1500xf32> to vector<1x1500xf32>
    %concatenate3A_71 = tpu.concatenate %reshape3A_56, %reshape3A_58, %reshape3A_60, %reshape3A_62, %reshape3A_64, %reshape3A_66, %reshape3A_68, %reshape3A_70 in 0 : vector<1x1500xf32>, vector<1x1500xf32>, vector<1x1500xf32>, vector<1x1500xf32>, vector<1x1500xf32>, vector<1x1500xf32>, vector<1x1500xf32>, vector<1x1500xf32> -> vector<8x1500xf32>
    %sub3A = arith.subf %concatenate3A_52, %concatenate3A : vector<8x1500xf32>
    %sub3A_72 = arith.subf %concatenate3A_71, %concatenate3A_33 : vector<8x1500xf32>
    %mul3A = arith.mulf %sub3A, %sub3A_72 : vector<8x1500xf32>
    %iota3A = tpu.iota {dimensions = array<i32: 0>} : vector<8x1500xi32>
    %iota3A_73 = tpu.iota {dimensions = array<i32: 1>} : vector<8x1500xi32>
    %mul3A_74 = arith.constant 1500 : i32
    %mul3A_75 = vector.broadcast %mul3A_74 : i32 to vector<8x1500xi32>
    %mul3A_76 = arith.muli %iota3A, %mul3A_75 : vector<8x1500xi32>
    %add3A = arith.addi %mul3A_76, %iota3A_73 : vector<8x1500xi32>
    %broadcast_in_dim3A = arith.constant 0.000000e+00 : f32
    %broadcast_in_dim3A_77 = vector.broadcast %broadcast_in_dim3A : f32 to vector<8x1500xf32>
    %while3A = arith.constant 12000 : i32
    %while3A_78 = arith.constant 12000 : i32
    %while3A_79 = arith.constant 0 : i32
    %while3A_80 = arith.constant 0 : i32
    %while3A_81:4 = scf.while (%while3A_84 = %while3A_79, %while3A_85 = %while3A_80, %while3A_86 = %add3A, %while3A_87 = %broadcast_in_dim3A_77) : (i32, i32, vector<8x1500xi32>, vector<8x1500xf32>) -> (i32, i32, vector<8x1500xi32>, vector<8x1500xf32>) {
      %lt3A = arith.constant 2000 : i32
      %lt3A_88 = arith.cmpi slt, %while3A_84, %lt3A : i32
      %lt3A_89 = arith.cmpi slt, %while3A_85, %while3A : i32
      %and3A = arith.andi %lt3A_88, %lt3A_89 : i1
      scf.condition(%and3A) %while3A_84, %while3A_85, %while3A_86, %while3A_87 : i32, i32, vector<8x1500xi32>, vector<8x1500xf32>
    } do {
    ^bb0(%while3A_84: i32, %while3A_85: i32, %while3A_86: vector<8x1500xi32>, %while3A_87: vector<8x1500xf32>):
      %eq3A = vector.broadcast %while3A_85 : i32 to vector<8x1500xi32>
      %eq3A_88 = arith.cmpi eq, %add3A, %eq3A : vector<8x1500xi32>
      %get3A_89 = arith.index_cast %while3A_85 : i32 to index
      %get3A_90 = arith.constant 0 : index
      %get3A_91 = vector.load %arg4[%get3A_89, %get3A_90] : memref<12000x4xf32, #tpu.memory_space<vmem>>, vector<1x4xf32>
      %slice3A_92 = vector.extract_strided_slice %get3A_91 {offsets = [0, 0], sizes = [1, 1], strides = [1, 1]} : vector<1x4xf32> to vector<1x1xf32>
      %squeeze3A = vector.extract %slice3A_92[0, 0] : f32 from vector<1x1xf32>
      %slice3A_93 = vector.extract_strided_slice %get3A_91 {offsets = [0, 1], sizes = [1, 1], strides = [1, 1]} : vector<1x4xf32> to vector<1x1xf32>
      %squeeze3A_94 = vector.extract %slice3A_93[0, 0] : f32 from vector<1x1xf32>
      %slice3A_95 = vector.extract_strided_slice %get3A_91 {offsets = [0, 2], sizes = [1, 1], strides = [1, 1]} : vector<1x4xf32> to vector<1x1xf32>
      %squeeze3A_96 = vector.extract %slice3A_95[0, 0] : f32 from vector<1x1xf32>
      %slice3A_97 = vector.extract_strided_slice %get3A_91 {offsets = [0, 3], sizes = [1, 1], strides = [1, 1]} : vector<1x4xf32> to vector<1x1xf32>
      %squeeze3A_98 = vector.extract %slice3A_97[0, 0] : f32 from vector<1x1xf32>
      %sub3A_99 = arith.subf %squeeze3A_96, %squeeze3A : f32
      %sub3A_100 = arith.subf %squeeze3A_98, %squeeze3A_94 : f32
      %mul3A_101 = arith.mulf %sub3A_99, %sub3A_100 : f32
      %max3A = vector.broadcast %squeeze3A : f32 to vector<8x1500xf32>
      %max3A_102 = arith.maximumf %max3A, %concatenate3A : vector<8x1500xf32>
      %max3A_103 = vector.broadcast %squeeze3A_94 : f32 to vector<8x1500xf32>
      %max3A_104 = arith.maximumf %max3A_103, %concatenate3A_33 : vector<8x1500xf32>
      %min3A = vector.broadcast %squeeze3A_96 : f32 to vector<8x1500xf32>
      %min3A_105 = arith.minimumf %min3A, %concatenate3A_52 : vector<8x1500xf32>
      %min3A_106 = vector.broadcast %squeeze3A_98 : f32 to vector<8x1500xf32>
      %min3A_107 = arith.minimumf %min3A_106, %concatenate3A_71 : vector<8x1500xf32>
      %sub3A_108 = arith.subf %min3A_105, %max3A_102 : vector<8x1500xf32>
      %max3A_109 = arith.constant 0.000000e+00 : f32
      %max3A_110 = vector.broadcast %max3A_109 : f32 to vector<8x1500xf32>
      %max3A_111 = arith.maximumf %sub3A_108, %max3A_110 : vector<8x1500xf32>
      %sub3A_112 = arith.subf %min3A_107, %max3A_104 : vector<8x1500xf32>
      %max3A_113 = arith.constant 0.000000e+00 : f32
      %max3A_114 = vector.broadcast %max3A_113 : f32 to vector<8x1500xf32>
      %max3A_115 = arith.maximumf %sub3A_112, %max3A_114 : vector<8x1500xf32>
      %mul3A_116 = arith.mulf %max3A_111, %max3A_115 : vector<8x1500xf32>
      %add3A_117 = vector.broadcast %mul3A_101 : f32 to vector<8x1500xf32>
      %add3A_118 = arith.addf %add3A_117, %mul3A : vector<8x1500xf32>
      %sub3A_119 = arith.subf %add3A_118, %mul3A_116 : vector<8x1500xf32>
      %add3A_120 = arith.constant 9.99999971E-10 : f32
      %add3A_121 = vector.broadcast %add3A_120 : f32 to vector<8x1500xf32>
      %add3A_122 = arith.addf %sub3A_119, %add3A_121 : vector<8x1500xf32>
      %div3A = arith.divf %mul3A_116, %add3A_122 : vector<8x1500xf32>
      %gt3A = arith.constant 0.699999988 : f32
      %gt3A_123 = vector.broadcast %gt3A : f32 to vector<8x1500xf32>
      %gt3A_124 = arith.cmpf ogt, %div3A, %gt3A_123 : vector<8x1500xf32>
      %or3A = arith.ori %gt3A_124, %eq3A_88 : vector<8x1500xi1>
      %broadcast_in_dim3A_125 = vector.broadcast %while3A_78 : i32 to vector<8x1500xi32>
      %select_n3A = arith.select %or3A, %broadcast_in_dim3A_125, %while3A_86 : vector<8x1500xi1>, vector<8x1500xi32>
      %jit3A = arith.constant 1.000000e+00 : f32
      %broadcast_in_dim3A_126 = vector.broadcast %jit3A : f32 to vector<8x1500xf32>
      %select_n3A_127 = arith.select %eq3A_88, %broadcast_in_dim3A_126, %while3A_87 : vector<8x1500xi1>, vector<8x1500xf32>
      %reduce_min3A = vector.shape_cast %select_n3A : vector<8x1500xi32> to vector<1x8x1500xi32>
      %reduce_min3A_128 = arith.constant dense<2147483647> : vector<1xi32>
      %reduce_min3A_129 = vector.multi_reduction <minsi>, %reduce_min3A, %reduce_min3A_128 [1, 2] : vector<1x8x1500xi32> to vector<1xi32>
      %reduce_min3A_130 = vector.shape_cast %reduce_min3A_129 : vector<1xi32> to vector<1x1x1xi32>
      %reduce_min3A_131 = vector.extract %reduce_min3A_130[0, 0, 0] : i32 from vector<1x1x1xi32>
      %add3A_132 = arith.constant 1 : i32
      %add3A_133 = arith.addi %while3A_84, %add3A_132 : i32
      scf.yield %add3A_133, %reduce_min3A_131, %select_n3A, %select_n3A_127 : i32, i32, vector<8x1500xi32>, vector<8x1500xf32>
    }
    %swap3A = arith.constant 0 : index
    %swap3A_82 = arith.constant 0 : index
    %swap3A_83 = vector.load %arg5[%swap3A, %swap3A_82] : memref<8x1500xf32, #tpu.memory_space<vmem>>, vector<8x1500xf32>
    tpu.vector_store %arg5[%swap3A, %swap3A_82], %while3A_81#3 {strides = array<i32>} : memref<8x1500xf32, #tpu.memory_space<vmem>>, vector<8x1500xf32>,
    return
  }
}

</mosaic_0001>

<sc_bundles>
// kernel: gather_offload_async_start.1
scs
__scs_entry_jumppad:
0x0: {  	(pc) =	sbr.rel $0x88, $3  }
0x1: {  	(tag) =	ssettag $0x0;
	lr =	simm.s32 $0x1  }
0x2: {  	[smem:$0x3F98] =	sst lr;
	_ =	strace $0xD0000000  }
0x3: {  	_ = 	snop  }
0x4: {  	_ = 	snop  }
0x5: {  	_ = 	snop  }
0x6: {  	_ = 	snop  }
0x7: {  	_ = 	snop  }
__scs_overlays_trampoline_lowered:
0x8: {  	[smem:$0x3FA7] =	sst s0  }
0x9: {  	[smem:$0x3FA8] =	sst s1  }
0xa: {  	[smem:$0x3FA9] =	sst s2  }
0xb: {  	[smem:$0x3FAA] =	sst s3  }
0xc: {  	[smem:$0x3FAB] =	sst s4  }
0xd: {  	[smem:$0x3FAC] =	sst s5  }
0xe: {  	[smem:$0x3FAD] =	sst s6  }
0xf: {  	[smem:$0x3FAE] =	sst s7  }
0x10: {  	[smem:$0x3FAF] =	sst s8  }
0x11: {  	[smem:$0x3FB0] =	sst s9;
	s0 =	simm.s32 @!p0 $0x0  }
0x12: {  	s1 =	sld [smem:$0x3F96];
	s0 =	simm.s32 @p0 $0x1  }
0x13: {  	[smem:$0x3FB1] =	sst s0;
	s0 =	simm.s32 @!p1 $0x0  }
0x14: {  	s2 =	sld [smem:$0x3F95];
	s0 =	simm.s32 @p1 $0x1  }
0x15: {  	[smem:$0x3FB2] =	sst s0;
	s0 =	simm.s32 @!p2 $0x0  }
0x16: {  	s3 =	sld [smem:$0x3FDB];
	s0 =	simm.s32 @p2 $0x1  }
0x17: {  	s4 =	simm.s32 $0x1BF5;
	[smem:$0x3FB4] =	sst s0  }
0x18: {  	s0 =	sld [smem:$0x3F97];
	_ =	swait.ge [sflag:s4], $0x0  }
0x19: {  	s7 =	sld [smem:$0x3F98]  }
0x1a: {  	s8 =	sadd.s32 $0xFFFFE003, lr  }
0x1b: {  	s9 =	sadd.s32 $0xFFFFFEF7, lr;
	s5 =	simm.s32 $0xFFFFFFFF;
	p2 =	slt.u32 s8, $0xFFFFF086  }
0x1c: {  	p1 =	slt.u32 s9, $0xF7A;
	s5 =	simm.s32 @!p2 $0x0  }
0x1d: {  	s5 =	simm.s32 @p1 $0x1;
	p0 =	seq.s32 s7, s2  }
0x1e: {  	s7 =	smul.u32 @!p0 $0xF7A, s2;
	p2 =	seq.s32 @!p0 s5, $0x0  }
0x1f: {  	s9 =	smul.u32 $0xF7A, s1;
	s8 =	simm.s32 @!p0 $0x1BF5;
	p2 =	por !p2, p0  }
0x20: {  	[sflag:s8] =	ssyncset.s32 @!p0 $0xFFFFF086;
	s6 =	sadd.s32 @!p0 s3, s7;
	s7 =	simm.s32 @!p0 $0x108  }
0x21: {  	s3 =	sadd.s32 s3, s9;
	s6 =	sadd.s32 @!p0 $0x88, s6;
	s7 =	simm.s32 @p2 $0x1082  }
0x22: {  	[simem:s7], [sflag:s8] =	dma.local @!p0 [hbm:s6], $0xF7A  }
0x23: {  	s9 =	sor.u32 $0xD0000000, s2;
	s6 =	simm.s32 $0x108;
	_ =	swait.ge @!p0 [sflag:s8], $0x0  }
0x24: {  	s3 =	sadd.s32 $0x88, s3;
	s6 =	simm.s32 @!p1 $0x1082;
	[sflag:s4] =	ssyncset.s32 $0xFFFFF086  }
0x25: {  	[simem:s6], [sflag:s4] =	dma.local [hbm:s3], $0xF7A  }
0x26: {  	[smem:$0x3F98] =	sst s1;
	(tag) =	ssettag s2;
	_ =	strace s9  }
0x27: {  	s1 =	sld [smem:$0x3FA8]  }
0x28: {  	s2 =	sld [smem:$0x3FA9]  }
0x29: {  	s4 =	sld [smem:$0x3FAB]  }
0x2a: {  	p0 =	seq.s32 s5, $0x0;
	s5 =	sld [smem:$0x3FAC]  }
0x2b: {  	s6 =	sld [smem:$0x3FAD]  }
0x2c: {  	s7 =	sld [smem:$0x3FAE]  }
0x2d: {  	s3 =	simm.s32 $0x108;
	s8 =	sld [smem:$0x3FAF]  }
0x2e: {  	s3 =	simm.s32 @!p0 $0x1082;
	s9 =	sld [smem:$0x3FB0]  }
0x2f: {  	lr =	sadd.s32 s0, s3;
	s0 =	sld [smem:$0x3FA7]  }
0x30: {  	s3 =	sld [smem:$0x3FAA]  }
0x31: {  	[smem:$0x3FB3] =	sst s10  }
0x32: {  	s10 =	sld [smem:$0x3FB1];
	_ =	sdelay $0x3  }
0x33: {  	p0 =	seq.s32 s10, $0x1;
	s10 =	sld [smem:$0x3FB3];
	_ =	sdelay $0x3  }
0x34: {  	[smem:$0x3FB3] =	sst s10  }
0x35: {  	s10 =	sld [smem:$0x3FB2];
	_ =	sdelay $0x3  }
0x36: {  	p1 =	seq.s32 s10, $0x1;
	s10 =	sld [smem:$0x3FB3];
	_ =	sdelay $0x3  }
0x37: {  	[smem:$0x3FB3] =	sst s10  }
0x38: {  	s10 =	sld [smem:$0x3FB4]  }
0x39: {  	_ = 	snop;
	(pc) =	sbr.ind lr, $3  }
0x3a: {  	_ = 	snop  }
0x3b: {  	_ = 	snop  }
0x3c: {  	p2 =	seq.s32 s10, $0x1;
	s10 =	sld [smem:$0x3FB3]  }
0x3d: {  	_ =	shalt  }
0x3e: {  	_ =	shalt  }
0x3f: {  	_ =	shalt  }
0x40: {  	_ =	shalt  }
0x41: {  	_ =	shalt  }
0x42: {  	_ =	shalt  }
0x43: {  	_ =	shalt  }
0x44: {  	_ =	shalt  }
0x45: {  	_ =	shalt  }
0x46: {  	_ =	shalt  }
0x47: {  	_ =	shalt  }
0x48: {  	_ =	shalt  }
0x49: {  	_ =	shalt  }
0x4a: {  	_ =	shalt  }
0x4b: {  	_ =	shalt  }
0x4c: {  	_ =	shalt  }
0x4d: {  	_ =	shalt  }
0x4e: {  	_ =	shalt  }
0x4f: {  	_ =	shalt  }
0x50: {  	_ =	shalt  }
0x51: {  	_ =	shalt  }
0x52: {  	_ =	shalt  }
0x53: {  	_ =	shalt  }
0x54: {  	_ =	shalt  }
0x55: {  	_ =	shalt  }
0x56: {  	_ =	shalt  }
0x57: {  	_ =	shalt  }
0x58: {  	_ =	shalt  }
0x59: {  	_ =	shalt  }
0x5a: {  	_ =	shalt  }
0x5b: {  	_ =	shalt  }
0x5c: {  	_ =	shalt  }
0x5d: {  	_ =	shalt  }
0x5e: {  	_ =	shalt  }
0x5f: {  	_ =	shalt  }
0x60: {  	_ =	shalt  }
0x61: {  	_ =	shalt  }
0x62: {  	_ =	shalt  }
0x63: {  	_ =	shalt  }
0x64: {  	_ =	shalt  }
0x65: {  	_ =	shalt  }
0x66: {  	_ =	shalt  }
0x67: {  	_ =	shalt  }
0x68: {  	_ =	shalt  }
0x69: {  	_ =	shalt  }
0x6a: {  	_ =	shalt  }
0x6b: {  	_ =	shalt  }
0x6c: {  	_ =	shalt  }
0x6d: {  	_ =	shalt  }
0x6e: {  	_ =	shalt  }
0x6f: {  	_ =	shalt  }
0x70: {  	_ =	shalt  }
0x71: {  	_ =	shalt  }
0x72: {  	_ =	shalt  }
0x73: {  	_ =	shalt  }
0x74: {  	_ =	shalt  }
0x75: {  	_ =	shalt  }
0x76: {  	_ =	shalt  }
0x77: {  	_ =	shalt  }
0x78: {  	_ =	shalt  }
0x79: {  	_ =	shalt  }
0x7a: {  	_ =	shalt  }
0x7b: {  	_ =	shalt  }
0x7c: {  	_ =	shalt  }
0x7d: {  	_ =	shalt  }
0x7e: {  	_ =	shalt  }
0x7f: {  	_ =	shalt  }
0x80: {  	_ =	shalt  }
0x81: {  	_ =	shalt  }
0x82: {  	_ =	shalt  }
0x83: {  	_ =	shalt  }
0x84: {  	_ =	shalt  }
0x85: {  	_ =	shalt  }
0x86: {  	_ =	shalt  }
0x87: {  	_ =	shalt  }
.Lfunc_end0:
.L_simem_size_0:
called_computation.2_lowered:
.L_overlay_start_0:
0x88: {  	s0 =	sld [smem:$0x3FD9]  }
0x89: {  	s1 =	sld [smem:$0x3FFE];
	_ =	sdelay $0x3  }
0x8a: {  	s0 =	sadd.s32 s1, s0  }
0x8b: {  	[smem:$0x3FBF] =	sst s0  }
0x8c: {  	_ = 	snop  }
0x8d: {  	s0 =	sld [smem:$0x3FD0];
	_ =	sdelay $0x2  }
0x8e: {  	s13 =	simm.s32 $0xB;
	s2 =	simm.s32 $0x10  }
0x8f: {  	[smem:s2], [sflag:s13] =	dma.local [hbm:s0], $0x1  }
0x90: {  	_ =	swait.eq [sflag:s13], $0x1  }
0x91: {  	[sflag:s13] =	ssyncset.done $0x0  }
0x92: {  	[sflag:s13] =	ssyncadd.s32 $0xFFFFFFFF  }
0x93: {  	s14 =	sld [smem:$0x12];
	(tm) =	ssettm $0x1  }
0x94: {  	s15 =	sld [smem:$0x3FFB];
	_ =	sdelay $0x3  }
0x95: {  	_ =	strace s15  }
0x96: {  	s1 =	sld [smem:$0x3FFC];
	_ =	sdelay $0x3  }
0x97: {  	_ =	strace s1  }
0x98: {  	s1 =	sld [smem:$0x3FFD];
	_ =	sdelay $0x3  }
0x99: {  	_ =	strace s1  }
0x9a: {  	_ =	strace $0x8FFFFFFF  }
0x9b: {  	s16 =	sld [smem:$0x3FDB];
	_ =	sdelay $0x1  }
0x9c: {  	s17 =	simm.s32 $_scs_section_size  }
0x9d: {  	s3 =	simm.s32 $_size__tile_overlayer_lowered;
	s4 =	simm.s32 $_tile_overlayer_lowered  }
0x9e: {  	s20 =	simm.s32 $0x1BFF;
	s19 =	sshll.u32 s4, $0x1;
	s1 =	sadd.s32 s17, s16  }
0x9f: {  	s5 =	simm.s32 $0x0;
	s18 =	sshll.u32 s3, $0x1;
	s3 =	sadd.s32 s19, s1  }
0xa0: {  	[timem:s5], [sflag:s20] =	dma.local [hbm:s3], s18  }
0xa1: {  	_ =	swait.ge [sflag:s20], s18  }
0xa2: {  	s2 =	ssub.s32 $0x0, s18;
	[sflag:s20] =	ssyncset.done $0x0  }
0xa3: {  	[sflag:s20] =	ssyncadd.s32 s2;
	_ =	sdelay $0x1  }
0xa4: {  	s21 =	simm.s32 $0x1B8B  }
0xa5: {  	_ =	swait.ge [sflag:s21], $0x1  }
0xa6: {  	[sflag:s21] =	ssyncset.done $0x0  }
0xa7: {  	s23 =	simm.s32 $0x1B8E;
	s22 =	sld [smem:$0x3FFE];
	[sflag:s21] =	ssyncadd.s32 $0xFFFFFFFF  }
0xa8: {  	s24 =	simm.s32 $execute0_lowered;
	[smem:$0x3FD2] =	sst s23  }
0xa9: {  	s3 =	sshll.u32 s24, $0x1;
	_ =	strace $0x8000004F;
	[dreg:$0x1] =	wrdreg $0xFFFFFFFF  }
0xaa: {  	s25 =	simm.s32 $_size_execute0_lowered;
	s1 =	sadd.s32 s1, s3;
	[dreg:$0x0] =	wrdreg $0x0  }
0xab: {  	s3 =	sshll.u32 s25, $0x1;
	[dreg:$0x2] =	wrdreg s1  }
0xac: {  	[dreg:$0x3] =	wrdreg s3  }
0xad: {  	[dreg:$0x4] =	wrdreg $0xC0  }
0xae: {  	_ =	task [dreg:s5], $0x5FFFF  }
0xaf: {  	[dreg:$0x1] =	wrdreg $0xFFFFFFFF  }
0xb0: {  	[dreg:$0x0] =	wrdreg $0x60  }
0xb1: {  	[dreg:$0x2] =	wrdreg s22  }
0xb2: {  	[dreg:$0x3] =	wrdreg s14  }
0xb3: {  	[dreg:$0x4] =	wrdreg $0x9  }
0xb4: {  	_ =	task.clear_ibuf [dreg:s5], $0x5FFFF;
	_ =	strace $0x9000004F  }
0xb5: {  	s26 =	simm.s32 $0x9;
	_ =	strace $0x80000051  }
0xb6: {  	_ =	swait.ge [sflag:s26], $0x1  }
0xb7: {  	[sflag:s26] =	ssyncadd.s32 $0xFFFFFFFF  }
0xb8: {  	_ =	strace $0x90000051  }
0xb9: {  	_ =	sfence  }
0xba: {  	s28 =	sld [smem:$0x0];
	_ =	sdelay $0x1  }
0xbb: {  	s29 =	srdreg.scid  }
0xbc: {  	s30 =	sshll.u32 s29, $0xD;
	s31 =	sshrl.u32 s29, $0x2  }
0xbd: {  	s2 =	sand.u32 $0x4000, s30;
	s1 =	sand.u32 $0x1, s29;
	s0 =	sadd.s32 s31, s28  }
0xbe: {  	s1 =	sor.u32 s2, s1;
	s0 =	sshll.u32 s0, $0x11  }
0xbf: {  	s0 =	sor.u32 s0, s1  }
0xc0: {  	s0 =	sadd.s32 $0x8F2B, s0  }
0xc1: {  	[sflag:s0] =	ssyncadd.remote.s32 $0x1  }
0xc2: {  	_ =	sfence.sel $0xFFFF  }
0xc3: {  	[dreg:$0x0] =	wrdreg $0xFFFFFFFF;
	(pc) =	sbr.abs _section_cstart, $3  }
0xc4: {  	[dreg:$0x1] =	wrdreg $0xFFFFFFFF  }
0xc5: {  	_ =	task.clear_ibuf [dreg:s5], $0x2FFFF;
	_ =	strace $0x9FFFFFFF  }
0xc6: {  	(tm) =	ssettm $0x7FFFFFFF  }
0xc7: {  	_ =	shalt  }
tec
execute0_lowered:
.L_overlay_start_1:
0x0: {  	(tag) =	ssettag $0x1  }
0x1: {  	s0 =	stileid.u32  }
0x2: {  	s1 =	smin.u32 s0, $0x9  }
0x3: {  	s1 =	sadd.s32 s0, s1  }
0x4: {  	s2 =	simm.s32 $0xA0;
	p0 =	slt.u32 s0, $0x9;
	s1 =	smul.u32 $0x50, s1  }
0x5: {  	s2 =	simm.s32 @!p0 $0x50  }
0x6: {  	s2 =	sadd.s32 s2, s1  }
0x7: {  	s3 =	smin.u32 s2, $0x7D0  }
0x8: {  	s7 =	ssub.s32 s3, s1  }
0x9: {  	p0 =	sgt.s32 s7, $0x0  }
0xa: {  	s7 =	simm.s32 @!p0 $0x0  }
0xb: {  	s4 =	rddreg [dreg:$0x0];
	s31 =	smul.u32 $0xCCCD, s7  }
0xc: {  	s5 =	rddreg [dreg:$0x1]  }
0xd: {  	s6 =	simm.s32 $0x1;
	s10 =	simm.s32 $0x3;
	s8 =	sshrl.u32 s31, $0x16  }
0xe: {  	s13 =	simm.s32 $0x0;
	s12 =	simm.s32 $0x0;
	s9 =	smul.u32 $0x50, s8  }
.Ltmp0:
0xf: {  	s11 =	smov.u32 s1;
	s2 =	rddreg [dreg:$0x2];
	(pc) =	sbr.rel .LBB2_1-.Ltmp0, $4  }
0x10: {  	_ =	strace $0x80000050;
	p0 =	sne.s32 s7, s9;
	s9 =	simm.s32 $0x1  }
0x11: {  	[sflag:s6] =	ssyncpa.u1 $0x0;
	s7 =	simm.s32 $0x2;
	s9 =	simm.s32 @!p0 $0x0  }
0x12: {  	[sflag:s7] =	ssyncpa.u1 $0x0;
	p0 =	por $0x0, $0x0;
	s8 =	sadd.s32 s8, s9  }
0x13: {  	vm0 =	vmmov $0xff;
	vm1 =	vcmask $0x3F20;
	s9 =	sadd.s32 $0x154000, s4;
	[sflag:s10] =	ssyncpa.u1 $0x0;
	s10 =	sadd.s32 $0x1, s8  }
.LBB2_6:
0x14: {  	[hbm:s17] =	stream.linear.scatter [tilespmem:s14], [sflag:$0x3], $0x400, $0x38;
	[tilespmem:$0x50A0] =	vst v63  }
.LBB2_7:
0x15: {  	s13 =	sadd.s32 $0x50, s11  }
0x16: {  	s15 =	smov.u32 s1;
	p2 =	slt.s32 s13, s3  }
0x17: {  	s15 =	smov.u32 @p2 s13;
	p2 =	sne.s32 s12, s10  }
.Ltmp1:
0x18: {  	p1 =	slt.u32 s12, $0x2;
	(pc) =	sbr.rel @!p2 .LBB2_8-.Ltmp1, $4  }
0x19: {  	s14 =	simm.s32 @!p1 $0x3  }
0x1a: {  	s16 =	sadd.s32 $0x1, s12;
	_ =	swait.ge @!p1 [sflag:s14], $0x2800  }
0x1b: {  	p0 =	por !p0, !p0;
	s13 =	smov.u32 s11;
	[sflag:s14] =	ssyncset.done @!p1 $0x0  }
0x1c: {  	s12 =	smov.u32 s16;
	s11 =	smov.u32 s15;
	[sflag:s14] =	ssyncadd.s32 @!p1 $0xFFFFD800  }
.LBB2_1:
0x1d: {  	p1 =	sge.u32 s12, s8  }
0x1e: {  	s14 =	sxor.u32 @!p1 $0xFFFFFFFF, s12  }
0x1f: {  	s14 =	sand.u32 @!p1 $0x1, s14  }
0x20: {  	s14 =	smul.u32 @!p1 $0x140, s14  }
0x21: {  	s31 =	sadd.s32 $0xFFFFFFFF, s12;
	s15 =	sshrl.u32 @!p1 s11, $0x3  }
0x22: {  	s16 =	sand.u32 @!p1 $0x7, s11;
	s15 =	sadd.s32 @!p1 s5, s15;
	s14 =	sshrl.u32 @!p1 s14, $0x2  }
0x23: {  	[tilespmem:s14], [sflag:$0x2] =	stream.linear.gather @!p1 [hbm4b:s15+s16], $0x50, $0x38;
	[tilespmem:$0x50A0] =	vst v63  }
0x24: {  	p1 =	sge.u32 s31, s8  }
.Ltmp2:
0x25: {  	_ = 	snop;
	(pc) =	sbr.rel @p1 .LBB2_7-.Ltmp2, $1  }
0x26: {  	_ =	sdelay $0x3  }
0x27: {  	s14 =	simm.s32 $0x1  }
0x28: {  	s14 =	simm.s32 @!p0 $0x0  }
0x29: {  	s15 =	smul.u32 $0x140, s14  }
0x2a: {  	_ =	swait.ge [sflag:s7], $0x50  }
0x2b: {  	[sflag:s7] =	ssyncset.done $0x0;
	s16 =	sshrl.u32 s15, $0x2  }
0x2c: {  	[sflag:s7] =	ssyncadd.s32 $0xFFFFFFB0;
	s15 =	sadd.s32 $0x0, s16  }
0x2d: {  	v0 =	vld.msk [tilespmem:s15+$0x0 ss:$0x1], $0xffff;
	_ =	sdelay $0x4  }
0x2e: {  	vm2 =	vgt.s32 v0, $0x0  }
0x2f: {  	v0 =	vnsel vm2, $0x0, v0  }
0x30: {  	v0 =	vmin.u32 v0, $0x2EDF  }
0x31: {  	v0 =	vshll.u32 v0, $0x4  }
0x32: {  	s14 =	smul.u32 $0xA000, s14;
	_ =	sdelay $0x1  }
0x33: {  	s14 =	sshrl.u32 s14, $0x2  }
0x34: {  	s14 =	sor.u32 $0xA0, s14  }
0x35: {  	[tilespmem:s14], [sflag:$0x1] =	stream.indirect_vreg.gather [hbm:s9], $0x80, v0, vm0, $0x38;
	[tilespmem:$0x50A0] =	vst v63  }
0x36: {  	s17 =	sadd.s32 $0x10, s16;
	s15 =	sadd.s32 $0x400, s14  }
0x37: {  	[tilespmem:s15], [sflag:$0x1] =	stream.indirect_vreg.gather [hbm:s9], $0x80, v0, vm1, $0x38;
	[tilespmem:$0x50A0] =	vst v63  }
0x38: {  	s18 =	simm.s32 $0x80;
	v0 =	vld.msk [tilespmem:s17+$0x0 ss:$0x1], $0xffff;
	s17 =	smov.u32 s14  }
.LBB2_3:
0x39: {  	p1 =	sne.s32 s18, $0x100;
	_ =	sdelay $0x4  }
0x3a: {  	vm2 =	vgt.s32 v0, $0x0  }
0x3b: {  	v0 =	vnsel vm2, $0x0, v0  }
0x3c: {  	v0 =	vmin.u32 v0, $0x2EDF  }
0x3d: {  	v0 =	vshll.u32 v0, $0x4;
	_ =	sdelay $0x3  }
.Ltmp3:
0x3e: {  	s19 =	sshra.s32 s18, $0x2;
	s17 =	sadd.s32 $0x800, s17;
	(pc) =	sbr.rel @p1 .LBB2_3-.Ltmp3, $4  }
0x3f: {  	[tilespmem:s17], [sflag:$0x1] =	stream.indirect_vreg.gather [hbm:s9], $0x80, v0, vm0, $0x38;
	[tilespmem:$0x50A0] =	vst v63  }
0x40: {  	s19 =	sadd.s32 s19, s16;
	s20 =	sadd.s32 $0x400, s17  }
0x41: {  	[tilespmem:s20], [sflag:$0x1] =	stream.indirect_vreg.gather [hbm:s9], $0x80, v0, vm1, $0x38;
	[tilespmem:$0x50A0] =	vst v63  }
0x42: {  	s18 =	sadd.s32 $0x40, s18;
	v0 =	vld.msk [tilespmem:s19+$0x0 ss:$0x1], $0xffff  }
0x43: {  	_ =	sdelay $0x3  }
0x44: {  	vm2 =	vgt.s32 v0, $0x0  }
0x45: {  	v0 =	vnsel vm2, $0x0, v0  }
0x46: {  	v0 =	vmin.u32 v0, $0x2EDF  }
0x47: {  	v0 =	vshll.u32 v0, $0x4;
	_ =	sdelay $0x3  }
0x48: {  	s16 =	sadd.s32 $0x800, s17  }
0x49: {  	[tilespmem:s16], [sflag:$0x1] =	stream.indirect_vreg.gather [hbm:s9], $0x80, v0, vm0, $0x38;
	[tilespmem:$0x50A0] =	vst v63  }
0x4a: {  	s16 =	sadd.s32 $0x400, s16  }
0x4b: {  	[tilespmem:s16], [sflag:$0x1] =	stream.indirect_vreg.gather [hbm:s9], $0x80, v0, vm1, $0x38;
	[tilespmem:$0x50A0] =	vst v63  }
0x4c: {  	s13 =	sshll.u32 s13, $0x4;
	_ =	swait.ge [sflag:s6], $0x2800  }
0x4d: {  	s13 =	sadd.s32 s13, s4;
	[sflag:s6] =	ssyncset.done $0x0  }
0x4e: {  	s17 =	sadd.s32 $0x0, s13;
	s16 =	simm.s32 $0x80;
	[sflag:s6] =	ssyncadd.s32 $0xFFFFD800  }
.LBB2_5:
0x4f: {  	[hbm:s17] =	stream.linear.scatter [tilespmem:s14], [sflag:$0x3], $0x400, $0x38;
	[tilespmem:$0x50A0] =	vst v63  }
0x50: {  	s17 =	smov.u32 s16;
	s14 =	smov.u32 s15;
	p1 =	sne.s32 s16, $0x480  }
.Ltmp4:
0x51: {  	s16 =	sadd.s32 $0x80, s16;
	(pc) =	sbr.rel @p1 .LBB2_5-.Ltmp4, $2  }
0x52: {  	_ =	sdelay $0x2  }
0x53: {  	s15 =	sadd.s32 $0x400, s15;
	s17 =	sadd.s32 s17, s13  }
.Ltmp5:
0x54: {  	_ = 	snop;
	(pc) =	sbr.rel .LBB2_6-.Ltmp5, $1  }
0x55: {  	_ =	sdelay $0x3  }
.LBB2_8:
0x56: {  	_ =	sfence.sel $0x180000  }
0x57: {  	s1 =	simm.s32 $0x2;
	[bflag:$0x0] =	sbarrier.arrive $0xFFFF  }
0x58: {  	s30 =	simm.s32 $0x3;
	[sflag:s1] =	ssyncpa.u1 $0x1  }
0x59: {  	s31 =	simm.s32 $0x1;
	[sflag:s30] =	ssyncpa.u1 $0x1  }
0x5a: {  	[sflag:s31] =	ssyncpa.u1 $0x1  }
0x5b: {  	p0 =	sne.s32 s0, $0x0;
	_ =	strace $0x90000050  }
0x5c: {  	s0 =	sadd.s32 @!p0 $0x100000, s2;
	[bflag:$0x2] =	sbarrier.arrive $0xFFFF  }
0x5d: {  	[sflag:s0] =	ssyncadd.tile.s32 @!p0 $0x1;
	_ =	shalt  }
.Lfunc_end2:
_tile_overlayer_lowered:
.L_overlay_start_2:
0x5e: {  	(tag) =	ssettag $0x2  }
0x5f: {  	s0 =	rddreg [dreg:$0x0];
	s2 =	stileid.u32  }
0x60: {  	s1 =	rddreg [dreg:$0x1];
	p0 =	sne.s32 s2, $0x0  }
0x61: {  	s3 =	rddreg [dreg:$0x2];
	[bflag:$0x3] =	sbarrier.arrive $0xFFFF;
	s2 =	simm.s32 @!p0 $0x1C01  }
0x62: {  	[timem:s3], [sflag:s2] =	dma.local @!p0 [hbm:s0], s1  }
0x63: {  	s0 =	simm.s32 @!p0 $0x1  }
0x64: {  	_ =	swait.ge @!p0 [sflag:s0], s1  }
0x65: {  	s1 =	ssub.s32 @!p0 $0x0, s1;
	[sflag:s0] =	ssyncset.done @!p0 $0x0  }
0x66: {  	[sflag:s0] =	ssyncadd.s32 @!p0 s1  }
0x67: {  	[bflag:$0x3] =	sbarrier.arrive $0xFFFF  }
0x68: {  	_ =	shalt  }

// kernel: gather_offload_async_start
scs
__scs_entry_jumppad:
0x0: {  	(pc) =	sbr.rel $0x88, $3  }
0x1: {  	(tag) =	ssettag $0x0;
	lr =	simm.s32 $0x1  }
0x2: {  	[smem:$0x3F98] =	sst lr;
	_ =	strace $0xD0000000  }
0x3: {  	_ = 	snop  }
0x4: {  	_ = 	snop  }
0x5: {  	_ = 	snop  }
0x6: {  	_ = 	snop  }
0x7: {  	_ = 	snop  }
__scs_overlays_trampoline_lowered:
0x8: {  	[smem:$0x3FA7] =	sst s0  }
0x9: {  	[smem:$0x3FA8] =	sst s1  }
0xa: {  	[smem:$0x3FA9] =	sst s2  }
0xb: {  	[smem:$0x3FAA] =	sst s3  }
0xc: {  	[smem:$0x3FAB] =	sst s4  }
0xd: {  	[smem:$0x3FAC] =	sst s5  }
0xe: {  	[smem:$0x3FAD] =	sst s6  }
0xf: {  	[smem:$0x3FAE] =	sst s7  }
0x10: {  	[smem:$0x3FAF] =	sst s8  }
0x11: {  	[smem:$0x3FB0] =	sst s9;
	s0 =	simm.s32 @!p0 $0x0  }
0x12: {  	s1 =	sld [smem:$0x3F96];
	s0 =	simm.s32 @p0 $0x1  }
0x13: {  	[smem:$0x3FB1] =	sst s0;
	s0 =	simm.s32 @!p1 $0x0  }
0x14: {  	s2 =	sld [smem:$0x3F95];
	s0 =	simm.s32 @p1 $0x1  }
0x15: {  	[smem:$0x3FB2] =	sst s0;
	s0 =	simm.s32 @!p2 $0x0  }
0x16: {  	s3 =	sld [smem:$0x3FDB];
	s0 =	simm.s32 @p2 $0x1  }
0x17: {  	s4 =	simm.s32 $0x1BF5;
	[smem:$0x3FB4] =	sst s0  }
0x18: {  	s0 =	sld [smem:$0x3F97];
	_ =	swait.ge [sflag:s4], $0x0  }
0x19: {  	s7 =	sld [smem:$0x3F98]  }
0x1a: {  	s8 =	sadd.s32 $0xFFFFE003, lr  }
0x1b: {  	s9 =	sadd.s32 $0xFFFFFEF7, lr;
	s5 =	simm.s32 $0xFFFFFFFF;
	p2 =	slt.u32 s8, $0xFFFFF086  }
0x1c: {  	p1 =	slt.u32 s9, $0xF7A;
	s5 =	simm.s32 @!p2 $0x0  }
0x1d: {  	s5 =	simm.s32 @p1 $0x1;
	p0 =	seq.s32 s7, s2  }
0x1e: {  	s7 =	smul.u32 @!p0 $0xF7A, s2;
	p2 =	seq.s32 @!p0 s5, $0x0  }
0x1f: {  	s9 =	smul.u32 $0xF7A, s1;
	s8 =	simm.s32 @!p0 $0x1BF5;
	p2 =	por !p2, p0  }
0x20: {  	[sflag:s8] =	ssyncset.s32 @!p0 $0xFFFFF086;
	s6 =	sadd.s32 @!p0 s3, s7;
	s7 =	simm.s32 @!p0 $0x108  }
0x21: {  	s3 =	sadd.s32 s3, s9;
	s6 =	sadd.s32 @!p0 $0x88, s6;
	s7 =	simm.s32 @p2 $0x1082  }
0x22: {  	[simem:s7], [sflag:s8] =	dma.local @!p0 [hbm:s6], $0xF7A  }
0x23: {  	s9 =	sor.u32 $0xD0000000, s2;
	s6 =	simm.s32 $0x108;
	_ =	swait.ge @!p0 [sflag:s8], $0x0  }
0x24: {  	s3 =	sadd.s32 $0x88, s3;
	s6 =	simm.s32 @!p1 $0x1082;
	[sflag:s4] =	ssyncset.s32 $0xFFFFF086  }
0x25: {  	[simem:s6], [sflag:s4] =	dma.local [hbm:s3], $0xF7A  }
0x26: {  	[smem:$0x3F98] =	sst s1;
	(tag) =	ssettag s2;
	_ =	strace s9  }
0x27: {  	s1 =	sld [smem:$0x3FA8]  }
0x28: {  	s2 =	sld [smem:$0x3FA9]  }
0x29: {  	s4 =	sld [smem:$0x3FAB]  }
0x2a: {  	p0 =	seq.s32 s5, $0x0;
	s5 =	sld [smem:$0x3FAC]  }
0x2b: {  	s6 =	sld [smem:$0x3FAD]  }
0x2c: {  	s7 =	sld [smem:$0x3FAE]  }
0x2d: {  	s3 =	simm.s32 $0x108;
	s8 =	sld [smem:$0x3FAF]  }
0x2e: {  	s3 =	simm.s32 @!p0 $0x1082;
	s9 =	sld [smem:$0x3FB0]  }
0x2f: {  	lr =	sadd.s32 s0, s3;
	s0 =	sld [smem:$0x3FA7]  }
0x30: {  	s3 =	sld [smem:$0x3FAA]  }
0x31: {  	[smem:$0x3FB3] =	sst s10  }
0x32: {  	s10 =	sld [smem:$0x3FB1];
	_ =	sdelay $0x3  }
0x33: {  	p0 =	seq.s32 s10, $0x1;
	s10 =	sld [smem:$0x3FB3];
	_ =	sdelay $0x3  }
0x34: {  	[smem:$0x3FB3] =	sst s10  }
0x35: {  	s10 =	sld [smem:$0x3FB2];
	_ =	sdelay $0x3  }
0x36: {  	p1 =	seq.s32 s10, $0x1;
	s10 =	sld [smem:$0x3FB3];
	_ =	sdelay $0x3  }
0x37: {  	[smem:$0x3FB3] =	sst s10  }
0x38: {  	s10 =	sld [smem:$0x3FB4]  }
0x39: {  	_ = 	snop;
	(pc) =	sbr.ind lr, $3  }
0x3a: {  	_ = 	snop  }
0x3b: {  	_ = 	snop  }
0x3c: {  	p2 =	seq.s32 s10, $0x1;
	s10 =	sld [smem:$0x3FB3]  }
0x3d: {  	_ =	shalt  }
0x3e: {  	_ =	shalt  }
0x3f: {  	_ =	shalt  }
0x40: {  	_ =	shalt  }
0x41: {  	_ =	shalt  }
0x42: {  	_ =	shalt  }
0x43: {  	_ =	shalt  }
0x44: {  	_ =	shalt  }
0x45: {  	_ =	shalt  }
0x46: {  	_ =	shalt  }
0x47: {  	_ =	shalt  }
0x48: {  	_ =	shalt  }
0x49: {  	_ =	shalt  }
0x4a: {  	_ =	shalt  }
0x4b: {  	_ =	shalt  }
0x4c: {  	_ =	shalt  }
0x4d: {  	_ =	shalt  }
0x4e: {  	_ =	shalt  }
0x4f: {  	_ =	shalt  }
0x50: {  	_ =	shalt  }
0x51: {  	_ =	shalt  }
0x52: {  	_ =	shalt  }
0x53: {  	_ =	shalt  }
0x54: {  	_ =	shalt  }
0x55: {  	_ =	shalt  }
0x56: {  	_ =	shalt  }
0x57: {  	_ =	shalt  }
0x58: {  	_ =	shalt  }
0x59: {  	_ =	shalt  }
0x5a: {  	_ =	shalt  }
0x5b: {  	_ =	shalt  }
0x5c: {  	_ =	shalt  }
0x5d: {  	_ =	shalt  }
0x5e: {  	_ =	shalt  }
0x5f: {  	_ =	shalt  }
0x60: {  	_ =	shalt  }
0x61: {  	_ =	shalt  }
0x62: {  	_ =	shalt  }
0x63: {  	_ =	shalt  }
0x64: {  	_ =	shalt  }
0x65: {  	_ =	shalt  }
0x66: {  	_ =	shalt  }
0x67: {  	_ =	shalt  }
0x68: {  	_ =	shalt  }
0x69: {  	_ =	shalt  }
0x6a: {  	_ =	shalt  }
0x6b: {  	_ =	shalt  }
0x6c: {  	_ =	shalt  }
0x6d: {  	_ =	shalt  }
0x6e: {  	_ =	shalt  }
0x6f: {  	_ =	shalt  }
0x70: {  	_ =	shalt  }
0x71: {  	_ =	shalt  }
0x72: {  	_ =	shalt  }
0x73: {  	_ =	shalt  }
0x74: {  	_ =	shalt  }
0x75: {  	_ =	shalt  }
0x76: {  	_ =	shalt  }
0x77: {  	_ =	shalt  }
0x78: {  	_ =	shalt  }
0x79: {  	_ =	shalt  }
0x7a: {  	_ =	shalt  }
0x7b: {  	_ =	shalt  }
0x7c: {  	_ =	shalt  }
0x7d: {  	_ =	shalt  }
0x7e: {  	_ =	shalt  }
0x7f: {  	_ =	shalt  }
0x80: {  	_ =	shalt  }
0x81: {  	_ =	shalt  }
0x82: {  	_ =	shalt  }
0x83: {  	_ =	shalt  }
0x84: {  	_ =	shalt  }
0x85: {  	_ =	shalt  }
0x86: {  	_ =	shalt  }
0x87: {  	_ =	shalt  }
.Lfunc_end0:
.L_simem_size_0:
called_computation.1_lowered:
.L_overlay_start_0:
0x88: {  	s2 =	sld [smem:$0x3FD9]  }
0x89: {  	s3 =	sld [smem:$0x3FFE];
	_ =	sdelay $0x1  }
0x8a: {  	s1 =	srdreg.scid  }
0x8b: {  	s0 =	sand.u32 $0x1, s1  }
0x8c: {  	s14 =	sshll.u32 s0, $0xA;
	s2 =	sadd.s32 s3, s2  }
0x8d: {  	s2 =	sadd.s32 s2, s14  }
0x8e: {  	[smem:$0x3FBF] =	sst s2  }
0x8f: {  	_ = 	snop  }
0x90: {  	s2 =	sld [smem:$0x3FD0];
	_ =	sdelay $0x2  }
0x91: {  	s15 =	simm.s32 $0xB;
	s4 =	simm.s32 $0x10  }
0x92: {  	[smem:s4], [sflag:s15] =	dma.local [hbm:s2], $0x1  }
0x93: {  	_ =	swait.eq [sflag:s15], $0x1  }
0x94: {  	[sflag:s15] =	ssyncset.done $0x0  }
0x95: {  	[sflag:s15] =	ssyncadd.s32 $0xFFFFFFFF  }
0x96: {  	s16 =	sld [smem:$0x10];
	(tm) =	ssettm $0x1  }
0x97: {  	s17 =	sld [smem:$0x3FFB];
	_ =	sdelay $0x3  }
0x98: {  	_ =	strace s17  }
0x99: {  	s3 =	sld [smem:$0x3FFC];
	_ =	sdelay $0x3  }
0x9a: {  	_ =	strace s3  }
0x9b: {  	s3 =	sld [smem:$0x3FFD];
	_ =	sdelay $0x3  }
0x9c: {  	_ =	strace s3  }
0x9d: {  	_ =	strace $0x8FFFFFFF  }
0x9e: {  	s18 =	sld [smem:$0x3FDB];
	_ =	sdelay $0x1  }
0x9f: {  	s19 =	simm.s32 $_scs_section_size  }
0xa0: {  	s5 =	simm.s32 $_size__tile_overlayer_lowered;
	s6 =	simm.s32 $_tile_overlayer_lowered  }
0xa1: {  	s22 =	simm.s32 $0x1BFF;
	s21 =	sshll.u32 s6, $0x1;
	s3 =	sadd.s32 s19, s18  }
0xa2: {  	s7 =	simm.s32 $0x0;
	s20 =	sshll.u32 s5, $0x1;
	s5 =	sadd.s32 s21, s3  }
0xa3: {  	[timem:s7], [sflag:s22] =	dma.local [hbm:s5], s20  }
0xa4: {  	_ =	swait.ge [sflag:s22], s20  }
0xa5: {  	s4 =	ssub.s32 $0x0, s20;
	[sflag:s22] =	ssyncset.done $0x0  }
0xa6: {  	[sflag:s22] =	ssyncadd.s32 s4;
	_ =	sdelay $0x1  }
0xa7: {  	s23 =	simm.s32 $0x1B8B  }
0xa8: {  	_ =	swait.ge [sflag:s23], $0x1  }
0xa9: {  	[sflag:s23] =	ssyncset.done $0x0  }
0xaa: {  	s25 =	simm.s32 $0x1B8E;
	s24 =	sld [smem:$0x3FFE];
	[sflag:s23] =	ssyncadd.s32 $0xFFFFFFFF  }
0xab: {  	s26 =	simm.s32 $execute0_lowered;
	[smem:$0x3FD2] =	sst s25  }
0xac: {  	s5 =	sshll.u32 s26, $0x1;
	_ =	strace $0x80000046;
	[dreg:$0x1] =	wrdreg $0xFFFFFFFF  }
0xad: {  	s28 =	simm.s32 $_size_execute0_lowered;
	s3 =	sadd.s32 s3, s5;
	[dreg:$0x0] =	wrdreg $0x0  }
0xae: {  	s5 =	sshll.u32 s28, $0x1;
	[dreg:$0x2] =	wrdreg s3  }
0xaf: {  	[dreg:$0x3] =	wrdreg s5  }
0xb0: {  	[dreg:$0x4] =	wrdreg $0xC0  }
0xb1: {  	_ =	task [dreg:s7], $0x5FFFF  }
0xb2: {  	[dreg:$0x1] =	wrdreg $0xFFFFFFFF  }
0xb3: {  	[dreg:$0x0] =	wrdreg $0x60  }
0xb4: {  	[dreg:$0x2] =	wrdreg s24  }
0xb5: {  	[dreg:$0x3] =	wrdreg s16  }
0xb6: {  	[dreg:$0x4] =	wrdreg $0x9  }
0xb7: {  	_ =	task.clear_ibuf [dreg:s7], $0x5FFFF;
	_ =	strace $0x90000046  }
0xb8: {  	s29 =	simm.s32 $0x9;
	_ =	strace $0x80000048  }
0xb9: {  	_ =	swait.ge [sflag:s29], $0x1  }
0xba: {  	[sflag:s29] =	ssyncadd.s32 $0xFFFFFFFF  }
0xbb: {  	_ =	strace $0x90000048  }
0xbc: {  	_ =	sfence  }
0xbd: {  	s30 =	sld [smem:$0x0];
	_ =	sdelay $0x2  }
0xbe: {  	s31 =	sshll.u32 s1, $0xD;
	s1 =	sshrl.u32 s1, $0x2  }
0xbf: {  	s3 =	sand.u32 $0x4000, s31;
	s1 =	sadd.s32 s1, s30  }
0xc0: {  	s0 =	sor.u32 s3, s0;
	s1 =	sshll.u32 s1, $0x11  }
0xc1: {  	s0 =	sor.u32 s1, s0  }
0xc2: {  	s0 =	sadd.s32 $0x8F2B, s0  }
0xc3: {  	[sflag:s0] =	ssyncadd.remote.s32 $0x1  }
0xc4: {  	_ =	sfence.sel $0xFFFF  }
0xc5: {  	[dreg:$0x0] =	wrdreg $0xFFFFFFFF;
	(pc) =	sbr.abs _section_cstart, $3  }
0xc6: {  	[dreg:$0x1] =	wrdreg $0xFFFFFFFF  }
0xc7: {  	_ =	task.clear_ibuf [dreg:s7], $0x2FFFF;
	_ =	strace $0x9FFFFFFF  }
0xc8: {  	(tm) =	ssettm $0x7FFFFFFF  }
0xc9: {  	_ =	shalt  }
tec
execute0_lowered:
.L_overlay_start_1:
0x0: {  	(tag) =	ssettag $0x1  }
0x1: {  	s0 =	srdreg.scid  }
0x2: {  	s1 =	sshll.u32 s0, $0x4  }
0x3: {  	s0 =	stileid.u32;
	s1 =	sand.u32 $0x10, s1  }
0x4: {  	s2 =	sor.u32 s0, s1  }
0x5: {  	s1 =	smin.u32 s2, $0x1C  }
0x6: {  	s1 =	sadd.s32 s2, s1  }
0x7: {  	p0 =	slt.u32 s2, $0x1C;
	s2 =	simm.s32 $0x190;
	s1 =	smul.u32 $0xC8, s1  }
0x8: {  	s2 =	simm.s32 @!p0 $0xC8  }
0x9: {  	s2 =	sadd.s32 s2, s1  }
0xa: {  	s3 =	smin.u32 s2, $0x2EE0  }
0xb: {  	s7 =	ssub.s32 s3, s1  }
0xc: {  	p0 =	sgt.s32 s7, $0x0  }
0xd: {  	s7 =	simm.s32 @!p0 $0x0  }
0xe: {  	s31 =	sand.u32 $0xFFF8, s7  }
0xf: {  	s2 =	sshrl.u32 s31, $0x3  }
0x10: {  	s9 =	rddreg [dreg:$0x0];
	s2 =	smul.u32 $0x147B, s2  }
0x11: {  	s4 =	rddreg [dreg:$0x1];
	s6 =	simm.s32 $0x1  }
0x12: {  	s11 =	simm.s32 $0x3;
	s13 =	simm.s32 $0x0;
	s8 =	sshrl.u32 s2, $0x11  }
0x13: {  	s12 =	simm.s32 $0x0;
	s5 =	sadd.s32 $0x34000, s9;
	s10 =	smul.u32 $0xC8, s8  }
.Ltmp0:
0x14: {  	s9 =	sadd.s32 $0x154000, s9;
	s2 =	rddreg [dreg:$0x2];
	(pc) =	sbr.rel .LBB2_1-.Ltmp0, $4  }
0x15: {  	_ =	strace $0x80000047;
	p0 =	sne.s32 s7, s10;
	s10 =	simm.s32 $0x1  }
0x16: {  	[sflag:s6] =	ssyncpa.u1 $0x0;
	s7 =	simm.s32 $0x2;
	s10 =	simm.s32 @!p0 $0x0  }
0x17: {  	[sflag:s7] =	ssyncpa.u1 $0x0;
	p0 =	por $0x0, $0x0;
	s8 =	sadd.s32 s8, s10  }
0x18: {  	vm0 =	vmmov $0xff;
	vm1 =	vcmask $0x3F20;
	[sflag:s11] =	ssyncpa.u1 $0x0;
	s11 =	smov.u32 s1;
	s10 =	sadd.s32 $0x1, s8  }
.LBB2_6:
0x19: {  	[hbm:s17] =	stream.linear.scatter [tilespmem:s14], [sflag:$0x3], $0x400, $0x38;
	[tilespmem:$0xC990] =	vst v63  }
.LBB2_7:
0x1a: {  	s13 =	sadd.s32 $0xC8, s11  }
0x1b: {  	s15 =	smov.u32 s1;
	p2 =	slt.s32 s13, s3  }
0x1c: {  	s15 =	smov.u32 @p2 s13;
	p2 =	sne.s32 s12, s10  }
.Ltmp1:
0x1d: {  	p1 =	slt.u32 s12, $0x2;
	(pc) =	sbr.rel @!p2 .LBB2_8-.Ltmp1, $4  }
0x1e: {  	s14 =	simm.s32 @!p1 $0x3  }
0x1f: {  	s16 =	sadd.s32 $0x1, s12;
	_ =	swait.ge @!p1 [sflag:s14], $0x6400  }
0x20: {  	p0 =	por !p0, !p0;
	s13 =	smov.u32 s11;
	[sflag:s14] =	ssyncset.done @!p1 $0x0  }
0x21: {  	s12 =	smov.u32 s16;
	s11 =	smov.u32 s15;
	[sflag:s14] =	ssyncadd.s32 @!p1 $0xFFFF9C00  }
.LBB2_1:
0x22: {  	p1 =	sge.u32 s12, s8  }
0x23: {  	s14 =	sxor.u32 @!p1 $0xFFFFFFFF, s12  }
0x24: {  	s14 =	sand.u32 @!p1 $0x1, s14  }
0x25: {  	s14 =	smul.u32 @!p1 $0x320, s14  }
0x26: {  	s31 =	sadd.s32 $0xFFFFFFFF, s12;
	s15 =	sshrl.u32 @!p1 s11, $0x3  }
0x27: {  	s16 =	sand.u32 @!p1 $0x7, s11;
	s15 =	sadd.s32 @!p1 s4, s15;
	s14 =	sshrl.u32 @!p1 s14, $0x2  }
0x28: {  	[tilespmem:s14], [sflag:$0x2] =	stream.linear.gather @!p1 [hbm4b:s15+s16], $0xC8, $0x38;
	[tilespmem:$0xC990] =	vst v63  }
0x29: {  	p1 =	sge.u32 s31, s8  }
.Ltmp2:
0x2a: {  	_ = 	snop;
	(pc) =	sbr.rel @p1 .LBB2_7-.Ltmp2, $1  }
0x2b: {  	_ =	sdelay $0x3  }
0x2c: {  	s14 =	simm.s32 $0x1  }
0x2d: {  	s14 =	simm.s32 @!p0 $0x0  }
0x2e: {  	s15 =	smul.u32 $0x320, s14  }
0x2f: {  	_ =	swait.ge [sflag:s7], $0xC8  }
0x30: {  	[sflag:s7] =	ssyncset.done $0x0;
	s16 =	sshrl.u32 s15, $0x2  }
0x31: {  	[sflag:s7] =	ssyncadd.s32 $0xFFFFFF38;
	s15 =	sadd.s32 $0x0, s16  }
0x32: {  	v0 =	vld.msk [tilespmem:s15+$0x0 ss:$0x1], $0xffff;
	_ =	sdelay $0x4  }
0x33: {  	vm2 =	vgt.s32 v0, $0x0  }
0x34: {  	v0 =	vnsel vm2, $0x0, v0  }
0x35: {  	v0 =	vmin.u32 v0, $0x8FFF  }
0x36: {  	v0 =	vshll.u32 v0, $0x4  }
0x37: {  	s14 =	smul.u32 $0x19000, s14  }
0x38: {  	s31 =	sand.u32 $0x1, s12  }
0x39: {  	s17 =	smul.u32 $0x320, s31;
	s14 =	sshrl.u32 s14, $0x2  }
0x3a: {  	s19 =	smul.u32 $0x19000, s31;
	s14 =	sor.u32 $0x190, s14  }
0x3b: {  	[tilespmem:s14], [sflag:$0x1] =	stream.indirect_vreg.gather [hbm:s5], $0x80, v0, vm0, $0x38;
	[tilespmem:$0xC990] =	vst v63  }
0x3c: {  	s18 =	sshrl.u32 s17, $0x2;
	s20 =	sadd.s32 $0x10, s16;
	s15 =	sadd.s32 $0x400, s14  }
0x3d: {  	[tilespmem:s15], [sflag:$0x1] =	stream.indirect_vreg.gather [hbm:s5], $0x80, v0, vm1, $0x38;
	[tilespmem:$0xC990] =	vst v63  }
0x3e: {  	s17 =	sshrl.u32 s19, $0x2;
	s19 =	smov.u32 s14;
	v0 =	vld.msk [tilespmem:s20+$0x0 ss:$0x1], $0xffff;
	s20 =	simm.s32 $0x80  }
.LBB2_3:
0x3f: {  	p1 =	sne.s32 s20, $0x2C0;
	_ =	sdelay $0x4  }
0x40: {  	vm2 =	vgt.s32 v0, $0x0  }
0x41: {  	v0 =	vnsel vm2, $0x0, v0  }
0x42: {  	v0 =	vmin.u32 v0, $0x8FFF  }
0x43: {  	v0 =	vshll.u32 v0, $0x4;
	_ =	sdelay $0x3  }
.Ltmp3:
0x44: {  	s21 =	sshra.s32 s20, $0x2;
	s19 =	sadd.s32 $0x800, s19;
	(pc) =	sbr.rel @p1 .LBB2_3-.Ltmp3, $4  }
0x45: {  	[tilespmem:s19], [sflag:$0x1] =	stream.indirect_vreg.gather [hbm:s5], $0x80, v0, vm0, $0x38;
	[tilespmem:$0xC990] =	vst v63  }
0x46: {  	s21 =	sadd.s32 s21, s16;
	s22 =	sadd.s32 $0x400, s19  }
0x47: {  	[tilespmem:s22], [sflag:$0x1] =	stream.indirect_vreg.gather [hbm:s5], $0x80, v0, vm1, $0x38;
	[tilespmem:$0xC990] =	vst v63  }
0x48: {  	s20 =	sadd.s32 $0x40, s20;
	v0 =	vld.msk [tilespmem:s21+$0x0 ss:$0x1], $0xffff  }
0x49: {  	_ =	sdelay $0x3  }
0x4a: {  	vm2 =	vgt.s32 v0, $0x0  }
0x4b: {  	v0 =	vnsel vm2, $0x0, v0  }
0x4c: {  	v0 =	vmin.u32 v0, $0x8FFF  }
0x4d: {  	v0 =	vshll.u32 v0, $0x4;
	_ =	sdelay $0x3  }
0x4e: {  	s16 =	sadd.s32 $0x800, s19  }
0x4f: {  	[tilespmem:s16], [sflag:$0x1] =	stream.indirect_vreg.gather [hbm:s5], $0x80, v0, vm0, $0x38;
	[tilespmem:$0xC990] =	vst v63  }
0x50: {  	s16 =	sadd.s32 $0x400, s16  }
0x51: {  	[tilespmem:s16], [sflag:$0x1] =	stream.indirect_vreg.gather [hbm:s5], $0x80, v0, vm1, $0x38;
	[tilespmem:$0xC990] =	vst v63  }
0x52: {  	v0 =	vld.msk [tilespmem:s18+$0xC0 ss:$0x1], $0xff;
	_ =	sdelay $0x4  }
0x53: {  	vm2 =	vgt.s32 v0, $0x0  }
0x54: {  	v0 =	vnsel vm2, $0x0, v0  }
0x55: {  	v0 =	vmin.u32 v0, $0x8FFF  }
0x56: {  	v0 =	vshll.u32 v0, $0x4;
	_ =	sdelay $0x3  }
0x57: {  	s31 =	sadd.s32 $0x6190, s17  }
0x58: {  	[tilespmem:s31], [sflag:$0x1] =	stream.indirect_vreg.gather [hbm:s5], $0x80, v0, vm0, $0x38;
	[tilespmem:$0xC990] =	vst v63  }
0x59: {  	s13 =	sshll.u32 s13, $0x4;
	_ =	swait.ge [sflag:s6], $0x6400  }
0x5a: {  	s13 =	sadd.s32 s13, s9;
	[sflag:s6] =	ssyncset.done $0x0  }
0x5b: {  	s17 =	sadd.s32 $0x0, s13;
	s16 =	simm.s32 $0x80;
	[sflag:s6] =	ssyncadd.s32 $0xFFFF9C00  }
.LBB2_5:
0x5c: {  	[hbm:s17] =	stream.linear.scatter [tilespmem:s14], [sflag:$0x3], $0x400, $0x38;
	[tilespmem:$0xC990] =	vst v63  }
0x5d: {  	s17 =	smov.u32 s16;
	s14 =	smov.u32 s15;
	p1 =	sne.s32 s16, $0xC00  }
.Ltmp4:
0x5e: {  	s16 =	sadd.s32 $0x80, s16;
	(pc) =	sbr.rel @p1 .LBB2_5-.Ltmp4, $2  }
0x5f: {  	_ =	sdelay $0x2  }
0x60: {  	s15 =	sadd.s32 $0x400, s15;
	s17 =	sadd.s32 s17, s13  }
.Ltmp5:
0x61: {  	_ = 	snop;
	(pc) =	sbr.rel .LBB2_6-.Ltmp5, $1  }
0x62: {  	_ =	sdelay $0x3  }
.LBB2_8:
0x63: {  	_ =	sfence.sel $0x180000  }
0x64: {  	s1 =	simm.s32 $0x2;
	[bflag:$0x0] =	sbarrier.arrive $0xFFFF  }
0x65: {  	s30 =	simm.s32 $0x3;
	[sflag:s1] =	ssyncpa.u1 $0x1  }
0x66: {  	s31 =	simm.s32 $0x1;
	[sflag:s30] =	ssyncpa.u1 $0x1  }
0x67: {  	[sflag:s31] =	ssyncpa.u1 $0x1  }
0x68: {  	p0 =	sne.s32 s0, $0x0;
	_ =	strace $0x90000047  }
0x69: {  	s0 =	sadd.s32 @!p0 $0x100000, s2;
	[bflag:$0x2] =	sbarrier.arrive $0xFFFF  }
0x6a: {  	[sflag:s0] =	ssyncadd.tile.s32 @!p0 $0x1;
	_ =	shalt  }
.Lfunc_end2:
_tile_overlayer_lowered:
.L_overlay_start_2:
0x6b: {  	(tag) =	ssettag $0x2  }
0x6c: {  	s0 =	rddreg [dreg:$0x0];
	s2 =	stileid.u32  }
0x6d: {  	s1 =	rddreg [dreg:$0x1];
	p0 =	sne.s32 s2, $0x0  }
0x6e: {  	s3 =	rddreg [dreg:$0x2];
	[bflag:$0x3] =	sbarrier.arrive $0xFFFF;
	s2 =	simm.s32 @!p0 $0x1C01  }
0x6f: {  	[timem:s3], [sflag:s2] =	dma.local @!p0 [hbm:s0], s1  }
0x70: {  	s0 =	simm.s32 @!p0 $0x1  }
0x71: {  	_ =	swait.ge @!p0 [sflag:s0], s1  }
0x72: {  	s1 =	ssub.s32 @!p0 $0x0, s1;
	[sflag:s0] =	ssyncset.done @!p0 $0x0  }
0x73: {  	[sflag:s0] =	ssyncadd.s32 @!p0 s1  }
0x74: {  	[bflag:$0x3] =	sbarrier.arrive $0xFFFF  }
0x75: {  	_ =	shalt  }

// kernel: scatter_offload_async_start
scs
__scs_entry_jumppad:
0x0: {  	(pc) =	sbr.rel $0x88, $3  }
0x1: {  	(tag) =	ssettag $0x0;
	lr =	simm.s32 $0x1  }
0x2: {  	[smem:$0x3F98] =	sst lr;
	_ =	strace $0xD0000000  }
0x3: {  	_ = 	snop  }
0x4: {  	_ = 	snop  }
0x5: {  	_ = 	snop  }
0x6: {  	_ = 	snop  }
0x7: {  	_ = 	snop  }
__scs_overlays_trampoline_lowered:
0x8: {  	[smem:$0x3FA7] =	sst s0  }
0x9: {  	[smem:$0x3FA8] =	sst s1  }
0xa: {  	[smem:$0x3FA9] =	sst s2  }
0xb: {  	[smem:$0x3FAA] =	sst s3  }
0xc: {  	[smem:$0x3FAB] =	sst s4  }
0xd: {  	[smem:$0x3FAC] =	sst s5  }
0xe: {  	[smem:$0x3FAD] =	sst s6  }
0xf: {  	[smem:$0x3FAE] =	sst s7  }
0x10: {  	[smem:$0x3FAF] =	sst s8  }
0x11: {  	[smem:$0x3FB0] =	sst s9;
	s0 =	simm.s32 @!p0 $0x0  }
0x12: {  	s1 =	sld [smem:$0x3F96];
	s0 =	simm.s32 @p0 $0x1  }
0x13: {  	[smem:$0x3FB1] =	sst s0;
	s0 =	simm.s32 @!p1 $0x0  }
0x14: {  	s2 =	sld [smem:$0x3F95];
	s0 =	simm.s32 @p1 $0x1  }
0x15: {  	[smem:$0x3FB2] =	sst s0;
	s0 =	simm.s32 @!p2 $0x0  }
0x16: {  	s3 =	sld [smem:$0x3FDB];
	s0 =	simm.s32 @p2 $0x1  }
0x17: {  	s4 =	simm.s32 $0x1BF5;
	[smem:$0x3FB4] =	sst s0  }
0x18: {  	s0 =	sld [smem:$0x3F97];
	_ =	swait.ge [sflag:s4], $0x0  }
0x19: {  	s7 =	sld [smem:$0x3F98]  }
0x1a: {  	s8 =	sadd.s32 $0xFFFFE003, lr  }
0x1b: {  	s9 =	sadd.s32 $0xFFFFFEF7, lr;
	s5 =	simm.s32 $0xFFFFFFFF;
	p2 =	slt.u32 s8, $0xFFFFF086  }
0x1c: {  	p1 =	slt.u32 s9, $0xF7A;
	s5 =	simm.s32 @!p2 $0x0  }
0x1d: {  	s5 =	simm.s32 @p1 $0x1;
	p0 =	seq.s32 s7, s2  }
0x1e: {  	s7 =	smul.u32 @!p0 $0xF7A, s2;
	p2 =	seq.s32 @!p0 s5, $0x0  }
0x1f: {  	s9 =	smul.u32 $0xF7A, s1;
	s8 =	simm.s32 @!p0 $0x1BF5;
	p2 =	por !p2, p0  }
0x20: {  	[sflag:s8] =	ssyncset.s32 @!p0 $0xFFFFF086;
	s6 =	sadd.s32 @!p0 s3, s7;
	s7 =	simm.s32 @!p0 $0x108  }
0x21: {  	s3 =	sadd.s32 s3, s9;
	s6 =	sadd.s32 @!p0 $0x88, s6;
	s7 =	simm.s32 @p2 $0x1082  }
0x22: {  	[simem:s7], [sflag:s8] =	dma.local @!p0 [hbm:s6], $0xF7A  }
0x23: {  	s9 =	sor.u32 $0xD0000000, s2;
	s6 =	simm.s32 $0x108;
	_ =	swait.ge @!p0 [sflag:s8], $0x0  }
0x24: {  	s3 =	sadd.s32 $0x88, s3;
	s6 =	simm.s32 @!p1 $0x1082;
	[sflag:s4] =	ssyncset.s32 $0xFFFFF086  }
0x25: {  	[simem:s6], [sflag:s4] =	dma.local [hbm:s3], $0xF7A  }
0x26: {  	[smem:$0x3F98] =	sst s1;
	(tag) =	ssettag s2;
	_ =	strace s9  }
0x27: {  	s1 =	sld [smem:$0x3FA8]  }
0x28: {  	s2 =	sld [smem:$0x3FA9]  }
0x29: {  	s4 =	sld [smem:$0x3FAB]  }
0x2a: {  	p0 =	seq.s32 s5, $0x0;
	s5 =	sld [smem:$0x3FAC]  }
0x2b: {  	s6 =	sld [smem:$0x3FAD]  }
0x2c: {  	s7 =	sld [smem:$0x3FAE]  }
0x2d: {  	s3 =	simm.s32 $0x108;
	s8 =	sld [smem:$0x3FAF]  }
0x2e: {  	s3 =	simm.s32 @!p0 $0x1082;
	s9 =	sld [smem:$0x3FB0]  }
0x2f: {  	lr =	sadd.s32 s0, s3;
	s0 =	sld [smem:$0x3FA7]  }
0x30: {  	s3 =	sld [smem:$0x3FAA]  }
0x31: {  	[smem:$0x3FB3] =	sst s10  }
0x32: {  	s10 =	sld [smem:$0x3FB1];
	_ =	sdelay $0x3  }
0x33: {  	p0 =	seq.s32 s10, $0x1;
	s10 =	sld [smem:$0x3FB3];
	_ =	sdelay $0x3  }
0x34: {  	[smem:$0x3FB3] =	sst s10  }
0x35: {  	s10 =	sld [smem:$0x3FB2];
	_ =	sdelay $0x3  }
0x36: {  	p1 =	seq.s32 s10, $0x1;
	s10 =	sld [smem:$0x3FB3];
	_ =	sdelay $0x3  }
0x37: {  	[smem:$0x3FB3] =	sst s10  }
0x38: {  	s10 =	sld [smem:$0x3FB4]  }
0x39: {  	_ = 	snop;
	(pc) =	sbr.ind lr, $3  }
0x3a: {  	_ = 	snop  }
0x3b: {  	_ = 	snop  }
0x3c: {  	p2 =	seq.s32 s10, $0x1;
	s10 =	sld [smem:$0x3FB3]  }
0x3d: {  	_ =	shalt  }
0x3e: {  	_ =	shalt  }
0x3f: {  	_ =	shalt  }
0x40: {  	_ =	shalt  }
0x41: {  	_ =	shalt  }
0x42: {  	_ =	shalt  }
0x43: {  	_ =	shalt  }
0x44: {  	_ =	shalt  }
0x45: {  	_ =	shalt  }
0x46: {  	_ =	shalt  }
0x47: {  	_ =	shalt  }
0x48: {  	_ =	shalt  }
0x49: {  	_ =	shalt  }
0x4a: {  	_ =	shalt  }
0x4b: {  	_ =	shalt  }
0x4c: {  	_ =	shalt  }
0x4d: {  	_ =	shalt  }
0x4e: {  	_ =	shalt  }
0x4f: {  	_ =	shalt  }
0x50: {  	_ =	shalt  }
0x51: {  	_ =	shalt  }
0x52: {  	_ =	shalt  }
0x53: {  	_ =	shalt  }
0x54: {  	_ =	shalt  }
0x55: {  	_ =	shalt  }
0x56: {  	_ =	shalt  }
0x57: {  	_ =	shalt  }
0x58: {  	_ =	shalt  }
0x59: {  	_ =	shalt  }
0x5a: {  	_ =	shalt  }
0x5b: {  	_ =	shalt  }
0x5c: {  	_ =	shalt  }
0x5d: {  	_ =	shalt  }
0x5e: {  	_ =	shalt  }
0x5f: {  	_ =	shalt  }
0x60: {  	_ =	shalt  }
0x61: {  	_ =	shalt  }
0x62: {  	_ =	shalt  }
0x63: {  	_ =	shalt  }
0x64: {  	_ =	shalt  }
0x65: {  	_ =	shalt  }
0x66: {  	_ =	shalt  }
0x67: {  	_ =	shalt  }
0x68: {  	_ =	shalt  }
0x69: {  	_ =	shalt  }
0x6a: {  	_ =	shalt  }
0x6b: {  	_ =	shalt  }
0x6c: {  	_ =	shalt  }
0x6d: {  	_ =	shalt  }
0x6e: {  	_ =	shalt  }
0x6f: {  	_ =	shalt  }
0x70: {  	_ =	shalt  }
0x71: {  	_ =	shalt  }
0x72: {  	_ =	shalt  }
0x73: {  	_ =	shalt  }
0x74: {  	_ =	shalt  }
0x75: {  	_ =	shalt  }
0x76: {  	_ =	shalt  }
0x77: {  	_ =	shalt  }
0x78: {  	_ =	shalt  }
0x79: {  	_ =	shalt  }
0x7a: {  	_ =	shalt  }
0x7b: {  	_ =	shalt  }
0x7c: {  	_ =	shalt  }
0x7d: {  	_ =	shalt  }
0x7e: {  	_ =	shalt  }
0x7f: {  	_ =	shalt  }
0x80: {  	_ =	shalt  }
0x81: {  	_ =	shalt  }
0x82: {  	_ =	shalt  }
0x83: {  	_ =	shalt  }
0x84: {  	_ =	shalt  }
0x85: {  	_ =	shalt  }
0x86: {  	_ =	shalt  }
0x87: {  	_ =	shalt  }
.Lfunc_end0:
.L_simem_size_0:
called_computation_lowered:
.L_overlay_start_0:
0x88: {  	s0 =	sld [smem:$0x3FD9]  }
0x89: {  	s1 =	sld [smem:$0x3FFE];
	_ =	sdelay $0x3  }
0x8a: {  	s0 =	sadd.s32 s1, s0  }
0x8b: {  	[smem:$0x3FBF] =	sst s0  }
0x8c: {  	_ = 	snop  }
0x8d: {  	s0 =	sld [smem:$0x3FD0];
	_ =	sdelay $0x2  }
0x8e: {  	s4 =	simm.s32 $0xB;
	s13 =	simm.s32 $0x10  }
0x8f: {  	[smem:s13], [sflag:s4] =	dma.local [hbm:s0], $0x1  }
0x90: {  	_ =	swait.eq [sflag:s4], $0x1  }
0x91: {  	s14 =	sld [smem:$0x10]  }
0x92: {  	s2 =	sld [smem:$0x11];
	[sflag:s4] =	ssyncset.done $0x0  }
0x93: {  	s3 =	sld [smem:$0x12];
	[sflag:s4] =	ssyncadd.s32 $0xFFFFFFFF  }
0x94: {  	s15 =	sld [smem:$0x13];
	(tm) =	ssettm $0x1  }
0x95: {  	s16 =	sld [smem:$0x3FFB];
	_ =	sdelay $0x3  }
0x96: {  	_ =	strace s16  }
0x97: {  	s0 =	sld [smem:$0x3FFC];
	_ =	sdelay $0x3  }
0x98: {  	_ =	strace s0  }
0x99: {  	s0 =	sld [smem:$0x3FFD];
	_ =	sdelay $0x3  }
0x9a: {  	_ =	strace s0  }
0x9b: {  	_ =	strace $0x8FFFFFFF  }
0x9c: {  	s17 =	sld [smem:$0x3FDB];
	_ =	sdelay $0x1  }
0x9d: {  	s5 =	simm.s32 $_scs_section_size  }
0x9e: {  	s6 =	simm.s32 $_size__tile_overlayer_lowered;
	s7 =	simm.s32 $_tile_overlayer_lowered  }
0x9f: {  	s8 =	simm.s32 $0x1BFF;
	s18 =	sshll.u32 s7, $0x1;
	s5 =	sadd.s32 s5, s17  }
0xa0: {  	s19 =	simm.s32 $0x0;
	s6 =	sshll.u32 s6, $0x1;
	s7 =	sadd.s32 s18, s5  }
0xa1: {  	[timem:s19], [sflag:s8] =	dma.local [hbm:s7], s6  }
0xa2: {  	_ =	swait.ge [sflag:s8], s6  }
0xa3: {  	s6 =	ssub.s32 $0x0, s6;
	[sflag:s8] =	ssyncset.done $0x0  }
0xa4: {  	[sflag:s8] =	ssyncadd.s32 s6;
	_ =	sdelay $0x1  }
0xa5: {  	s20 =	simm.s32 $0x1B8B  }
0xa6: {  	_ =	swait.ge [sflag:s20], $0x1  }
0xa7: {  	[sflag:s20] =	ssyncset.done $0x0  }
0xa8: {  	s21 =	simm.s32 $0x1B8E;
	[sflag:s20] =	ssyncadd.s32 $0xFFFFFFFF  }
0xa9: {  	s22 =	simm.s32 $execute0_lowered;
	[smem:$0x3FD2] =	sst s21  }
0xaa: {  	s6 =	sshll.u32 s22, $0x1;
	_ =	strace $0x80000049;
	[dreg:$0x1] =	wrdreg $0xFFFFFFFF  }
0xab: {  	s23 =	simm.s32 $_size_execute0_lowered;
	s6 =	sadd.s32 s5, s6;
	[dreg:$0x0] =	wrdreg $0x0  }
0xac: {  	s7 =	sshll.u32 s23, $0x1;
	[dreg:$0x2] =	wrdreg s6  }
0xad: {  	[dreg:$0x3] =	wrdreg s7  }
0xae: {  	[dreg:$0x4] =	wrdreg $0xC0  }
0xaf: {  	s24 =	simm.s32 $execute1_lowered;
	_ =	task [dreg:s19], $0x5FFFF  }
0xb0: {  	s6 =	sshll.u32 s24, $0x1;
	[dreg:$0x1] =	wrdreg $0xFFFFFFFF  }
0xb1: {  	s5 =	sadd.s32 s5, s6;
	[dreg:$0x0] =	wrdreg $0x60  }
0xb2: {  	[dreg:$0x2] =	wrdreg s5  }
0xb3: {  	[dreg:$0x3] =	wrdreg s15  }
0xb4: {  	[dreg:$0x4] =	wrdreg s3  }
0xb5: {  	[dreg:$0x5] =	wrdreg $0x9  }
0xb6: {  	_ =	task.clear_ibuf [dreg:s19], $0x6FFFF;
	_ =	strace $0x90000049  }
0xb7: {  	s25 =	simm.s32 $0x9;
	_ =	strace $0x8000004B  }
0xb8: {  	_ =	swait.ge [sflag:s25], $0x1  }
0xb9: {  	[sflag:s25] =	ssyncadd.s32 $0xFFFFFFFF  }
0xba: {  	_ =	strace $0x9000004B  }
0xbb: {  	_ =	strace $0x8000004C;
	[dreg:$0x1] =	wrdreg $0xFFFFFFFF  }
0xbc: {  	[dreg:$0x0] =	wrdreg $0x2030  }
0xbd: {  	[dreg:$0x2] =	wrdreg s3  }
0xbe: {  	[dreg:$0x3] =	wrdreg s14  }
0xbf: {  	[dreg:$0x4] =	wrdreg s2  }
0xc0: {  	[dreg:$0x5] =	wrdreg $0xA  }
0xc1: {  	_ =	task.clear_ibuf [dreg:s19], $0x6FFFF;
	_ =	strace $0x9000004C  }
0xc2: {  	s26 =	simm.s32 $0xA;
	_ =	strace $0x8000004E  }
0xc3: {  	_ =	swait.ge [sflag:s26], $0x1  }
0xc4: {  	[sflag:s26] =	ssyncadd.s32 $0xFFFFFFFF  }
0xc5: {  	_ =	strace $0x9000004E  }
0xc6: {  	_ =	sfence  }
0xc7: {  	s28 =	sld [smem:$0x0];
	_ =	sdelay $0x1  }
0xc8: {  	s29 =	srdreg.scid  }
0xc9: {  	s30 =	sshll.u32 s29, $0xD;
	s31 =	sshrl.u32 s29, $0x2  }
0xca: {  	s3 =	sand.u32 $0x4000, s30;
	s2 =	sand.u32 $0x1, s29;
	s1 =	sadd.s32 s31, s28  }
0xcb: {  	s2 =	sor.u32 s3, s2;
	s1 =	sshll.u32 s1, $0x11  }
0xcc: {  	s1 =	sor.u32 s1, s2  }
0xcd: {  	s1 =	sadd.s32 $0x8F2B, s1  }
0xce: {  	[sflag:s1] =	ssyncadd.remote.s32 $0x1  }
0xcf: {  	_ =	sfence.sel $0xFFFF  }
0xd0: {  	[dreg:$0x0] =	wrdreg $0xFFFFFFFF;
	(pc) =	sbr.abs _section_cstart, $3  }
0xd1: {  	[dreg:$0x1] =	wrdreg $0xFFFFFFFF  }
0xd2: {  	_ =	task.clear_ibuf [dreg:s19], $0x2FFFF;
	_ =	strace $0x9FFFFFFF  }
0xd3: {  	(tm) =	ssettm $0x7FFFFFFF  }
tec
execute0_lowered:
.L_overlay_start_1:
0x0: {  	(tag) =	ssettag $0x1  }
0x1: {  	s0 =	rddreg [dreg:$0x0]  }
0x2: {  	s1 =	rddreg [dreg:$0x1]  }
0x3: {  	s2 =	rddreg [dreg:$0x2]  }
0x4: {  	s3 =	rddreg [dreg:$0x3];
	s4 =	stileid.u32  }
0x5: {  	[bflag:$0x3] =	sbarrier.arrive $0xFFFF;
	s5 =	simm.s32 $_size_execute1_lowered;
	p0 =	sne.s32 s4, $0x0  }
0x6: {  	s5 =	sshll.u32 s5, $0x1;
	s6 =	simm.s32 @!p0 $0x1C3F;
	s7 =	simm.s32 @!p0 $0x4060  }
0x7: {  	[timem:s7], [sflag:s6] =	dma.local @!p0 [hbm:s0], s5  }
0x8: {  	s26 =	simm.s32 $0x1;
	s28 =	simm.s32 $0x2;
	_ =	strace $0x8000004A  }
0x9: {  	s29 =	simm.s32 $0x0;
	s4 =	sshll.u32 s4, $0x4;
	[sflag:s26] =	ssyncpa.u1 $0x0  }
0xa: {  	s8 =	simm.s32 $0x80;
	s1 =	sadd.s32 s4, s1;
	[sflag:s28] =	ssyncpa.u1 $0x0  }
0xb: {  	[tilespmem:s8], [sflag:$0x1] =	stream.linear.gather [hbm4b:s1+s29], $0x80, $0x38;
	[tilespmem:$0x200] =	vst v63  }
0xc: {  	_ =	swait.ge [sflag:s26], $0x80  }
0xd: {  	[sflag:s26] =	ssyncset.done $0x0  }
0xe: {  	[sflag:s26] =	ssyncadd.s32 $0xFFFFFF80  }
0xf: {  	v0 =	vld [tilespmem:$0x80]  }
0x10: {  	v1 =	vld [tilespmem:$0x90]  }
0x11: {  	v2 =	vld [tilespmem:$0xA0]  }
0x12: {  	v3 =	vld [tilespmem:$0xB0]  }
0x13: {  	v4 =	vld [tilespmem:$0xC0]  }
0x14: {  	v61 =	vld [tilespmem:$0xD0];
	[tilespmem:$0x180] =	vst v0  }
0x15: {  	v62 =	vld [tilespmem:$0xE0];
	[tilespmem:$0x190] =	vst v1  }
0x16: {  	v63 =	vld [tilespmem:$0xF0];
	[tilespmem:$0x1A0] =	vst v2  }
0x17: {  	[tilespmem:$0x1B0] =	vst v3  }
0x18: {  	[tilespmem:$0x1C0] =	vst v4  }
0x19: {  	[tilespmem:$0x1D0] =	vst v61  }
0x1a: {  	[tilespmem:$0x1E0] =	vst v62  }
0x1b: {  	s31 =	simm.s32 $0x180;
	s30 =	sadd.s32 s2, s4;
	[tilespmem:$0x1F0] =	vst v63  }
0x1c: {  	[hbm4b:s30+s29] =	stream.linear.scatter [tilespmem:s31], [sflag:$0x2], $0x80, $0x38;
	[tilespmem:$0x200] =	vst v63  }
0x1d: {  	_ =	swait.ge [sflag:s28], $0x80  }
0x1e: {  	[sflag:s28] =	ssyncset.done $0x0  }
0x1f: {  	[sflag:s28] =	ssyncadd.s32 $0xFFFFFF80  }
0x20: {  	_ =	sfence.sel $0x180000  }
0x21: {  	[bflag:$0x0] =	sbarrier.arrive $0xFFFF  }
0x22: {  	[sflag:s26] =	ssyncpa.u1 $0x1  }
0x23: {  	[sflag:s28] =	ssyncpa.u1 $0x1  }
0x24: {  	_ =	strace $0x9000004A  }
0x25: {  	s0 =	sadd.s32 @!p0 $0x100000, s3;
	[bflag:$0x2] =	sbarrier.arrive $0xFFFF  }
0x26: {  	[sflag:s0] =	ssyncadd.tile.s32 @!p0 $0x1;
	s0 =	simm.s32 @!p0 $0x3F  }
0x27: {  	_ =	swait.ge @!p0 [sflag:s0], s5  }
0x28: {  	s1 =	ssub.s32 @!p0 $0x0, s5;
	[sflag:s0] =	ssyncset.done @!p0 $0x0  }
0x29: {  	[sflag:s0] =	ssyncadd.s32 @!p0 s1  }
0x2a: {  	[bflag:$0x3] =	sbarrier.arrive $0xFFFF  }
0x2b: {  	_ =	shalt  }
.Lfunc_end2:
execute1_lowered:
.L_overlay_start_2:
0x2c: {  	(tag) =	ssettag $0x2  }
0x2d: {  	s1 =	rddreg [dreg:$0x0]  }
0x2e: {  	s2 =	rddreg [dreg:$0x1]  }
0x2f: {  	s3 =	rddreg [dreg:$0x2]  }
0x30: {  	s0 =	rddreg [dreg:$0x3]  }
0x31: {  	s5 =	stileid.u32;
	_ =	strace $0x8000004D;
	s6 =	simm.s32 $0x3E  }
0x32: {  	p0 =	sne.s32 s5, $0x0;
	[sflag:s6] =	ssyncpa.u1 $0x0  }
0x33: {  	s30 =	smin.u32 s5, $0x9;
	s4 =	simm.s32 @!p0 $0x1C3E;
	s7 =	simm.s32 @!p0 $0x0  }
0x34: {  	[spmem:s7], [sflag:s4] =	dma.local @!p0 [hbm:s1], $0x100  }
0x35: {  	s4 =	sadd.s32 s5, s30  }
0x36: {  	p1 =	slt.u32 s5, $0x9;
	s5 =	simm.s32 $0x3C0;
	s4 =	smul.u32 $0x1E0, s4  }
0x37: {  	s5 =	simm.s32 @!p1 $0x1E0  }
0x38: {  	s5 =	sadd.s32 s5, s4  }
0x39: {  	s5 =	smin.u32 s5, $0x2EE0  }
0x3a: {  	s8 =	ssub.s32 s5, s4  }
0x3b: {  	p1 =	sgt.s32 s8, $0x0  }
0x3c: {  	s8 =	simm.s32 @!p1 $0x0  }
0x3d: {  	s7 =	simm.s32 @!p0 $0x3E;
	s31 =	smul.u32 $0x8889, s8  }
0x3e: {  	_ =	swait.ge @!p0 [sflag:s7], $0x100  }
0x3f: {  	[sflag:s7] =	ssyncset.done @!p0 $0x0;
	s9 =	sshrl.u32 s31, $0x18  }
0x40: {  	[sflag:s7] =	ssyncadd.s32 @!p0 $0xFFFFFF00;
	s10 =	smul.u32 $0x1E0, s9  }
.Ltmp0:
0x41: {  	s11 =	simm.s32 $0x0;
	[bflag:$0x0] =	sbarrier.arrive $0xFFFF;
	(pc) =	sbr.rel .LBB3_1-.Ltmp0, $4  }
0x42: {  	s7 =	simm.s32 $0x2;
	[sflag:s6] =	ssyncpa.u1 $0x1;
	s6 =	simm.s32 $0x1  }
0x43: {  	[sflag:s6] =	ssyncpa.u1 $0x0;
	p1 =	sne.s32 s8, s10;
	s8 =	simm.s32 $0x1  }
0x44: {  	(ifvalue) =	ssetifvalue $0x800;
	[sflag:s7] =	ssyncpa.u1 $0x0;
	s8 =	simm.s32 @!p1 $0x0  }
0x45: {  	vm0 =	vmmov $0xffff;
	s10 =	smov.u32 s4;
	s8 =	sadd.s32 s9, s8;
	s9 =	simm.s32 $0x0  }
.LBB3_5:
0x46: {  	p2 =	sne.s32 s11, s8  }
.Ltmp1:
0x47: {  	_ = 	snop;
	(pc) =	sbr.rel @!p2 .LBB3_6-.Ltmp1, $4  }
0x48: {  	_ = 	snop  }
0x49: {  	s12 =	sadd.s32 $0x1E0, s10  }
0x4a: {  	s10 =	smov.u32 s4;
	s13 =	sadd.s32 $0x1, s11;
	p1 =	slt.s32 s12, s5  }
0x4b: {  	s11 =	smov.u32 s13;
	s10 =	smov.u32 @p1 s12  }
.LBB3_1:
0x4c: {  	p1 =	sge.u32 s11, s8  }
0x4d: {  	s12 =	sxor.u32 @!p1 $0xFFFFFFFF, s11  }
0x4e: {  	s12 =	sand.u32 @!p1 $0x1, s12  }
0x4f: {  	s12 =	smul.u32 @!p1 $0x1E0, s12  }
0x50: {  	s13 =	sshrl.u32 @!p1 s10, $0x3  }
0x51: {  	s16 =	sand.u32 @!p1 $0x7, s10;
	s14 =	sadd.s32 @!p1 s2, s13;
	s15 =	sadd.s32 @!p1 $0x80, s12  }
0x52: {  	[tilespmem:s15], [sflag:$0x2] =	stream.linear.gather @!p1 [hbm4b:s14+s16], $0x1E0, $0x38;
	[tilespmem:$0x800] =	vst v63  }
0x53: {  	s13 =	sadd.s32 @!p1 s3, s13;
	s12 =	sadd.s32 @!p1 $0x440, s12  }
0x54: {  	[tilespmem:s12], [sflag:$0x2] =	stream.linear.gather @!p1 [hbm4b:s13+s16], $0x1E0, $0x38;
	[tilespmem:$0x800] =	vst v63  }
0x55: {  	p1 =	seq.s32 s11, $0x0  }
.Ltmp2:
0x56: {  	_ = 	snop;
	(pc) =	sbr.rel @p1 .LBB3_5-.Ltmp2, $1  }
0x57: {  	_ =	sdelay $0x3  }
0x58: {  	s12 =	sand.u32 $0x1, s11  }
0x59: {  	_ =	swait.ge [sflag:s7], $0x3C0;
	p1 =	seq.s32 s12, $0x1;
	s12 =	simm.s32 $0x1E0  }
0x5a: {  	[sflag:s7] =	ssyncset.done $0x0;
	s12 =	simm.s32 @!p1 $0x0  }
0x5b: {  	[sflag:s7] =	ssyncadd.s32 $0xFFFFFC40;
	s14 =	sadd.s32 $0x80, s12  }
0x5c: {  	v0 =	vld.msk [tilespmem:s14+$0x0 ss:$0x1], $0xffff;
	_ =	sdelay $0x4  }
0x5d: {  	v0 =	vmin.u32 v0, $0x800;
	_ =	sdelay $0x3  }
0x5e: {  	s13 =	simm.s32 $0x0;
	s12 =	sadd.s32 $0x440, s12;
	s14 =	sadd.s32 $0x10, s14  }
0x5f: {  	[spmem:s9] =	stream.indirect_vreg.scatter.add.s32 [tilespmem:s12], [sflag:$0x1], $0x1, v0, vm0, $0x4038;
	[tilespmem:$0x800] =	vst v63  }
.LBB3_3:
0x60: {  	v0 =	vld.msk [tilespmem:s14+$0x0 ss:$0x1], $0xffff;
	s13 =	sadd.s32 $0x10, s13  }
0x61: {  	p1 =	slt.u32 s13, $0x1D0;
	_ =	sdelay $0x4  }
0x62: {  	v0 =	vmin.u32 v0, $0x800  }
.Ltmp3:
0x63: {  	(pc) =	sbr.rel @p1 .LBB3_3-.Ltmp3, $3  }
0x64: {  	_ =	sdelay $0x1  }
0x65: {  	s14 =	sadd.s32 $0x10, s14;
	s12 =	sadd.s32 $0x10, s12  }
0x66: {  	[spmem:s9] =	stream.indirect_vreg.scatter.add.s32 [tilespmem:s12], [sflag:$0x1], $0x1, v0, vm0, $0x4038;
	[tilespmem:$0x800] =	vst v63  }
.Ltmp4:
0x67: {  	(pc) =	sbr.rel .LBB3_5-.Ltmp4, $4  }
0x68: {  	_ = 	snop  }
0x69: {  	_ =	swait.ge [sflag:s6], $0x1E0  }
0x6a: {  	[sflag:s6] =	ssyncset.done $0x0  }
0x6b: {  	[sflag:s6] =	ssyncadd.s32 $0xFFFFFE20  }
.LBB3_6:
0x6c: {  	_ =	sfence.sel $0x180000  }
0x6d: {  	s2 =	simm.s32 $0x2;
	[bflag:$0x0] =	sbarrier.arrive $0xFFFF  }
0x6e: {  	s30 =	simm.s32 $0x1;
	[sflag:s2] =	ssyncpa.u1 $0x1  }
0x6f: {  	[sflag:s30] =	ssyncpa.u1 $0x1  }
0x70: {  	_ =	sfence.stream.spmem  }
0x71: {  	s31 =	simm.s32 $0x3D;
	[bflag:$0x0] =	sbarrier.arrive $0xFFFF  }
0x72: {  	s2 =	simm.s32 @p0 $0x3D;
	[sflag:s31] =	ssyncpa.u1 $0x0  }
0x73: {  	[sflag:s2] =	ssyncpa.u1 @p0 $0x1  }
0x74: {  	[bflag:$0x0] =	sbarrier.arrive @p0 $0xFFFF  }
0x75: {  	_ =	strace @p0 $0x9000004D  }
0x76: {  	s3 =	simm.s32 @!p0 $0x1C3D;
	s2 =	simm.s32 @!p0 $0x0;
	[bflag:$0x2] =	sbarrier.arrive @p0 $0xFFFF  }
0x77: {  	[hbm:s1], [sflag:s3] =	dma.local @!p0 [spmem:s2], $0x100  }
0x78: {  	s1 =	simm.s32 @!p0 $0x3D  }
0x79: {  	_ =	swait.ge @!p0 [sflag:s1], $0x100  }
0x7a: {  	[sflag:s1] =	ssyncset.done @!p0 $0x0  }
0x7b: {  	[sflag:s1] =	ssyncadd.s32 @!p0 $0xFFFFFF00  }
0x7c: {  	[sflag:s1] =	ssyncpa.u1 @!p0 $0x1  }
0x7d: {  	[bflag:$0x0] =	sbarrier.arrive @!p0 $0xFFFF  }
0x7e: {  	_ =	strace @!p0 $0x9000004D  }
0x7f: {  	s0 =	sadd.s32 @!p0 $0x100000, s0;
	[bflag:$0x2] =	sbarrier.arrive @!p0 $0xFFFF  }
0x80: {  	[sflag:s0] =	ssyncadd.tile.s32 @!p0 $0x1;
	_ =	shalt  }
.Lfunc_end3:
_tile_overlayer_lowered:
.L_overlay_start_3:
0x81: {  	(tag) =	ssettag $0x3  }
0x82: {  	s0 =	rddreg [dreg:$0x0];
	s2 =	stileid.u32  }
0x83: {  	s1 =	rddreg [dreg:$0x1];
	p0 =	sne.s32 s2, $0x0  }
0x84: {  	s3 =	rddreg [dreg:$0x2];
	[bflag:$0x3] =	sbarrier.arrive $0xFFFF;
	s2 =	simm.s32 @!p0 $0x1C01  }
0x85: {  	[timem:s3], [sflag:s2] =	dma.local @!p0 [hbm:s0], s1  }
0x86: {  	s0 =	simm.s32 @!p0 $0x1  }
0x87: {  	_ =	swait.ge @!p0 [sflag:s0], s1  }
0x88: {  	s1 =	ssub.s32 @!p0 $0x0, s1;
	[sflag:s0] =	ssyncset.done @!p0 $0x0  }
0x89: {  	[sflag:s0] =	ssyncadd.s32 @!p0 s1  }
0x8a: {  	[bflag:$0x3] =	sbarrier.arrive $0xFFFF  }
0x8b: {  	_ =	shalt  }

</sc_bundles>
